<compile_context>
chip_gen: v7x
topology: tpu7x:2x2x1
jax: 0.10.2.dev20260603
libtpu: 0.0.44.dev20260713+nightly
codegen_flags: <defaults>
</compile_context>

<pallas_src>
import functools

import jax
import jax.numpy as jnp
from jax import lax
from jax.experimental import pallas as pl
from jax.experimental.pallas import tpu as pltpu
from jax.experimental.pallas import tpu_sc as plsc

T = 8192
D = 2048
E = 16
K = 2
TM = 1024
CH = 1
CHUNK = T // CH
NC = 2
NS = 16
NW = NC * NS
TPW = CHUNK // NW
L = 16
G = TPW // L
S = TM // 8
GP = S // L


def _matmul_body(x_ref, w_ref, o_ref):
    lg = lax.dot_general(
        x_ref[...], w_ref[...], (((1,), (1,)), ((), ())),
        preferred_element_type=jnp.float32)
    o_ref[...] = jnp.concatenate(
        [lg[j * (TM // 8):(j + 1) * (TM // 8), :] for j in range(8)], axis=1)


def _logits(x, W, c):
    off = c * (CHUNK // TM)
    return pl.pallas_call(
        _matmul_body,
        grid=(CHUNK // TM,),
        in_specs=[
            pl.BlockSpec((TM, D), lambda i: (i + off, 0)),
            pl.BlockSpec((E, D), lambda i: (0, 0)),
        ],
        out_specs=pl.BlockSpec((TM // 8, 128), lambda i: (i, 0)),
        out_shape=jax.ShapeDtypeStruct((CHUNK // 8, 128), jnp.float32),
    )(x, W)


_mesh = plsc.VectorSubcoreMesh(
    core_axis_name="c", subcore_axis_name="s", num_cores=NC, num_subcores=NS)


@functools.partial(
    pl.kernel,
    out_type=(jax.ShapeDtypeStruct((CHUNK, K), jnp.float32),
              jax.ShapeDtypeStruct((CHUNK, K), jnp.int32)),
    mesh=_mesh,
    scratch_types=[
        pltpu.VMEM((TM * E,), jnp.float32),
        pltpu.VMEM((TPW, K), jnp.float32),
        pltpu.VMEM((TPW, K), jnp.int32),
    ],
    compiler_params=pltpu.CompilerParams(needs_layout_passes=False),
)
def _router(logits_hbm, w_hbm, i_hbm, lg_v, w_v, i_v):
    wid = lax.axis_index("s") * NC + lax.axis_index("c")
    base = wid * TPW
    h = wid % (TM // TPW)
    blk = wid // (TM // TPW)
    pltpu.sync_copy(logits_hbm.at[pl.ds(blk * TM * E, TM * E)], lg_v)

    def group(g, carry):
        tok = jnp.full((L,), g * L, jnp.int32) + lax.iota(jnp.int32, L)
        gb = (lax.rem(g, GP) * 2048
              + (16 * (TPW // S)) * h + lax.div(g, GP) * 16)
        abase = jnp.full((L,), gb, jnp.int32) + lax.iota(jnp.int32, L) * jnp.full((L,), 128, jnp.int32)
        ls = [plsc.load_gather(lg_v, [abase + jnp.full((L,), e, jnp.int32)])
              for e in range(E)]
        m1 = ls[0]
        i1 = jnp.zeros((L,), jnp.int32)
        m2 = jnp.full((L,), -jnp.inf, jnp.float32)
        i2 = jnp.zeros((L,), jnp.int32)
        for e in range(1, E):
            v = ls[e]
            ev = jnp.full((L,), e, jnp.int32)
            gt1 = v > m1
            gt2 = v > m2
            m2 = jnp.where(gt1, m1, jnp.where(gt2, v, m2))
            i2 = jnp.where(gt1, i1, jnp.where(gt2, ev, i2))
            m1 = jnp.where(gt1, v, m1)
            i1 = jnp.where(gt1, ev, i1)
        e2 = jnp.exp(m2 - m1)
        one = jnp.full((L,), 1.0, jnp.float32)
        denom = one + e2
        w1 = one / denom
        w2 = e2 / denom
        col0 = jnp.zeros((L,), jnp.int32)
        col1 = jnp.full((L,), 1, jnp.int32)
        plsc.store_scatter(w_v, [tok, col0], w1)
        plsc.store_scatter(w_v, [tok, col1], w2)
        plsc.store_scatter(i_v, [tok, col0], i1)
        plsc.store_scatter(i_v, [tok, col1], i2)
        return carry

    lax.fori_loop(0, G, group, 0)
    pltpu.sync_copy(w_v, w_hbm.at[pl.ds(base, TPW)])
    pltpu.sync_copy(i_v, i_hbm.at[pl.ds(base, TPW)])


def kernel(x, W):
    ws, idxs = [], []
    for c in range(CH):
        lg = _logits(x, W, c)
        wc, ic = _router(lg.reshape(CHUNK * E))
        ws.append(wc)
        idxs.append(ic)
    if CH == 1:
        return (ws[0], idxs[0])
    return (jnp.concatenate(ws, axis=0), jnp.concatenate(idxs, axis=0))

# --- scband reference (transcript-rebuilt; emitter-appended) ---
"""Pipeline reference for scband-moe-router-50869592655342 (READ-ONLY COPY).

The authoritative reference and input builder live on the scoring server;
editing this copy changes nothing except your own understanding.
"""

import jax, jax.numpy as jnp
import numpy as np

EMBED_DIM = 2048
NUM_EXPERTS = 16
TOP_K = 2
T = 8192

def setup_inputs(seed: int = 0) -> dict:
    key = jax.random.key(seed)
    kx, kw = jax.random.split(key)
    x = jax.random.normal(kx, (T, EMBED_DIM), dtype=jnp.float32)
    # nn.Linear(embed_dim, num_experts, bias=False): weight shape [num_experts, embed_dim]
    bound = 1.0 / np.sqrt(EMBED_DIM)
    W = jax.random.uniform(kw, (NUM_EXPERTS, EMBED_DIM), dtype=jnp.float32, minval=-bound, maxval=bound)
    return {"x": x, "W": W}

def reference(x, W):
    # gate: logits = x @ W^T
    logits = jnp.dot(x, W.T)
    probs = jax.nn.softmax(logits, axis=-1)
    top_k_weights, top_k_indices = jax.lax.top_k(probs, TOP_K)
    top_k_weights = top_k_weights / (jnp.sum(top_k_weights, axis=-1, keepdims=True) + 1e-09)
    return (top_k_weights, top_k_indices)

if __name__ == "__main__":
    import jax
    _d = setup_inputs()
    print(jax.jit(kernel)(*tuple(_d.values())))

</pallas_src>

<mosaic_0001>
#map = affine_map<(d0, d1) -> (0)>
#map1 = affine_map<(d0, d1) -> (0, 0)>
module attributes {stable_mosaic.version = 14 : i64} {
  func.func @_router(%arg0: i32, %arg1: i32, %arg2: memref<131072xf32, #tpu.memory_space<hbm>>, %arg3: memref<8192x2xf32, #tpu.memory_space<hbm>>, %arg4: memref<8192x2xi32, #tpu.memory_space<hbm>>, %arg5: memref<16384xf32, #tpu.memory_space<vmem>>, %arg6: memref<256x2xf32, #tpu.memory_space<vmem>>, %arg7: memref<256x2xi32, #tpu.memory_space<vmem>>) attributes {dimension_semantics = [#tpu.dimension_semantics<core_parallel>, #tpu.dimension_semantics<subcore_parallel>], iteration_bounds = array<i64: 2, 16>, scalar_prefetch = 0 : i64, scratch_operands = 3 : i64, tpu.core_type = #tpu.core_type<sc_vector_subcore>, window_params = [{transform_indices = #map}, {transform_indices = #map1}, {transform_indices = #map1}]} {
    %mul3A = arith.constant 2 : i32
    %mul3A_0 = arith.muli %arg1, %mul3A : i32
    %add3A = arith.addi %mul3A_0, %arg0 : i32
    %mul3A_1 = arith.constant 256 : i32
    %mul3A_2 = arith.muli %add3A, %mul3A_1 : i32
    %jit3A = arith.constant 4 : i32
    %eq3A = arith.constant 0 : i32
    %eq3A_3 = arith.cmpi eq, %jit3A, %eq3A : i32
    %jit3A_4 = arith.constant 1 : i32
    %select_n3A = arith.select %eq3A_3, %jit3A_4, %jit3A : i32
    %rem3A = arith.remsi %add3A, %select_n3A : i32
    %ne3A = arith.constant 0 : i32
    %ne3A_5 = arith.cmpi ne, %rem3A, %ne3A : i32
    %lt3A = arith.constant 0 : i32
    %lt3A_6 = arith.cmpi slt, %rem3A, %lt3A : i32
    %lt3A_7 = arith.constant 0 : i32
    %lt3A_8 = arith.cmpi slt, %select_n3A, %lt3A_7 : i32
    %ne3A_9 = arith.xori %lt3A_6, %lt3A_8 : i1
    %and3A = arith.andi %ne3A_9, %ne3A_5 : i1
    %add3A_10 = arith.addi %rem3A, %select_n3A : i32
    %select_n3A_11 = arith.select %and3A, %add3A_10, %rem3A : i32
    %jit3A_12 = arith.constant 4 : i32
    %div3A = arith.divsi %add3A, %jit3A_12 : i32
    %sign3A = arith.constant 0 : i32
    %sign3A_13 = arith.cmpi sgt, %add3A, %sign3A : i32
    %sign3A_14 = arith.extui %sign3A_13 : i1 to i32
    %sign3A_15 = arith.constant 0 : i32
    %sign3A_16 = arith.cmpi slt, %add3A, %sign3A_15 : i32
    %sign3A_17 = arith.extui %sign3A_16 : i1 to i32
    %sign3A_18 = arith.subi %sign3A_14, %sign3A_17 : i32
    %sign3A_19 = arith.constant 0 : i32
    %sign3A_20 = arith.cmpi sgt, %jit3A_12, %sign3A_19 : i32
    %sign3A_21 = arith.extui %sign3A_20 : i1 to i32
    %sign3A_22 = arith.constant 0 : i32
    %sign3A_23 = arith.cmpi slt, %jit3A_12, %sign3A_22 : i32
    %sign3A_24 = arith.extui %sign3A_23 : i1 to i32
    %sign3A_25 = arith.subi %sign3A_21, %sign3A_24 : i32
    %ne3A_26 = arith.cmpi ne, %sign3A_18, %sign3A_25 : i32
    %rem3A_27 = arith.remsi %add3A, %jit3A_12 : i32
    %ne3A_28 = arith.constant 0 : i32
    %ne3A_29 = arith.cmpi ne, %rem3A_27, %ne3A_28 : i32
    %and3A_30 = arith.andi %ne3A_26, %ne3A_29 : i1
    %sub3A = arith.constant 1 : i32
    %sub3A_31 = arith.subi %div3A, %sub3A : i32
    %select_n3A_32 = arith.select %and3A_30, %sub3A_31, %div3A : i32
    %mul3A_33 = arith.constant 1024 : i32
    %mul3A_34 = arith.muli %select_n3A_32, %mul3A_33 : i32
    %mul3A_35 = arith.constant 16 : i32
    %mul3A_36 = arith.muli %mul3A_34, %mul3A_35 : i32
    "tpu.region"() ({
      %run_scoped3A = tpu.sem_alloc : memref<!tpu.dma_semaphore, #tpu.memory_space<semaphore_mem>>
      %dma_start3A = tpu.memref_slice %arg2[%mul3A_36] : memref<131072xf32, #tpu.memory_space<hbm>> -> memref<16384xf32, #tpu.memory_space<hbm>>
      %dma_start3A_42 = tpu.memref_slice %arg2[%mul3A_36] : memref<131072xf32, #tpu.memory_space<hbm>> -> memref<16384xf32, #tpu.memory_space<hbm>>
      tpu.enqueue_dma source(%dma_start3A_42 : memref<16384xf32, #tpu.memory_space<hbm>>) target(%arg5 : memref<16384xf32, #tpu.memory_space<vmem>>) target_semaphore(%run_scoped3A : memref<!tpu.dma_semaphore, #tpu.memory_space<semaphore_mem>>)
      %dma_wait3A = tpu.memref_slice %arg2[%mul3A_36] : memref<131072xf32, #tpu.memory_space<hbm>> -> memref<16384xf32, #tpu.memory_space<hbm>>
      %dma_wait3A_43 = tpu.memref_slice %arg2[%mul3A_36] : memref<131072xf32, #tpu.memory_space<hbm>> -> memref<16384xf32, #tpu.memory_space<hbm>>
      tpu.wait_dma2 semaphore(%run_scoped3A : memref<!tpu.dma_semaphore, #tpu.memory_space<semaphore_mem>>) src(%dma_wait3A_43 : memref<16384xf32, #tpu.memory_space<hbm>>) dst(%arg5 : memref<16384xf32, #tpu.memory_space<vmem>>)
      tpu.yield
    }) : () -> ()
    %scan3A = arith.constant 0 : i32
    %scan3A_37 = arith.constant 0 : i32
    %scan3A_38 = arith.constant 16 : i32
    %scan3A_39 = arith.addi %scan3A_37, %scan3A_38 : i32
    %scan3A_40 = arith.constant 1 : i32
    scf.for %scan3A_42 = %scan3A_37 to %scan3A_39 step %scan3A_40  : i32 {
      %mul3A_43 = arith.constant 16 : i32
      %mul3A_44 = arith.muli %scan3A_42, %mul3A_43 : i32
      %broadcast_in_dim3A = vector.broadcast %mul3A_44 : i32 to vector<16xi32>
      %iota3A = tpu.iota {dimensions = array<i32: 0>} : vector<16xi32>
      %add3A_45 = arith.addi %broadcast_in_dim3A, %iota3A : vector<16xi32>
      %rem3A_46 = arith.constant 8 : i32
      %rem3A_47 = arith.remsi %scan3A_42, %rem3A_46 : i32
      %mul3A_48 = arith.constant 2048 : i32
      %mul3A_49 = arith.muli %rem3A_47, %mul3A_48 : i32
      %mul3A_50 = arith.constant 32 : i32
      %mul3A_51 = arith.muli %mul3A_50, %select_n3A_11 : i32
      %add3A_52 = arith.addi %mul3A_49, %mul3A_51 : i32
      %div3A_53 = arith.constant 8 : i32
      %div3A_54 = arith.divsi %scan3A_42, %div3A_53 : i32
      %mul3A_55 = arith.constant 16 : i32
      %mul3A_56 = arith.muli %div3A_54, %mul3A_55 : i32
      %add3A_57 = arith.addi %add3A_52, %mul3A_56 : i32
      %broadcast_in_dim3A_58 = vector.broadcast %add3A_57 : i32 to vector<16xi32>
      %iota3A_59 = tpu.iota {dimensions = array<i32: 0>} : vector<16xi32>
      %broadcast_in_dim3A_60 = arith.constant 128 : i32
      %broadcast_in_dim3A_61 = vector.broadcast %broadcast_in_dim3A_60 : i32 to vector<16xi32>
      %mul3A_62 = arith.muli %iota3A_59, %broadcast_in_dim3A_61 : vector<16xi32>
      %add3A_63 = arith.addi %broadcast_in_dim3A_58, %mul3A_62 : vector<16xi32>
      %broadcast_in_dim3A_64 = arith.constant 0 : i32
      %broadcast_in_dim3A_65 = vector.broadcast %broadcast_in_dim3A_64 : i32 to vector<16xi32>
      %add3A_66 = arith.addi %add3A_63, %broadcast_in_dim3A_65 : vector<16xi32>
      %gather3A = tpu.vector_load_idx %arg5[%add3A_66] : memref<16384xf32, #tpu.memory_space<vmem>>[vector<16xi32>], vector<16xf32>,
      %broadcast_in_dim3A_67 = arith.constant 1 : i32
      %broadcast_in_dim3A_68 = vector.broadcast %broadcast_in_dim3A_67 : i32 to vector<16xi32>
      %add3A_69 = arith.addi %add3A_63, %broadcast_in_dim3A_68 : vector<16xi32>
      %gather3A_70 = tpu.vector_load_idx %arg5[%add3A_69] : memref<16384xf32, #tpu.memory_space<vmem>>[vector<16xi32>], vector<16xf32>,
      %broadcast_in_dim3A_71 = arith.constant 2 : i32
      %broadcast_in_dim3A_72 = vector.broadcast %broadcast_in_dim3A_71 : i32 to vector<16xi32>
      %add3A_73 = arith.addi %add3A_63, %broadcast_in_dim3A_72 : vector<16xi32>
      %gather3A_74 = tpu.vector_load_idx %arg5[%add3A_73] : memref<16384xf32, #tpu.memory_space<vmem>>[vector<16xi32>], vector<16xf32>,
      %broadcast_in_dim3A_75 = arith.constant 3 : i32
      %broadcast_in_dim3A_76 = vector.broadcast %broadcast_in_dim3A_75 : i32 to vector<16xi32>
      %add3A_77 = arith.addi %add3A_63, %broadcast_in_dim3A_76 : vector<16xi32>
      %gather3A_78 = tpu.vector_load_idx %arg5[%add3A_77] : memref<16384xf32, #tpu.memory_space<vmem>>[vector<16xi32>], vector<16xf32>,
      %broadcast_in_dim3A_79 = arith.constant 4 : i32
      %broadcast_in_dim3A_80 = vector.broadcast %broadcast_in_dim3A_79 : i32 to vector<16xi32>
      %add3A_81 = arith.addi %add3A_63, %broadcast_in_dim3A_80 : vector<16xi32>
      %gather3A_82 = tpu.vector_load_idx %arg5[%add3A_81] : memref<16384xf32, #tpu.memory_space<vmem>>[vector<16xi32>], vector<16xf32>,
      %broadcast_in_dim3A_83 = arith.constant 5 : i32
      %broadcast_in_dim3A_84 = vector.broadcast %broadcast_in_dim3A_83 : i32 to vector<16xi32>
      %add3A_85 = arith.addi %add3A_63, %broadcast_in_dim3A_84 : vector<16xi32>
      %gather3A_86 = tpu.vector_load_idx %arg5[%add3A_85] : memref<16384xf32, #tpu.memory_space<vmem>>[vector<16xi32>], vector<16xf32>,
      %broadcast_in_dim3A_87 = arith.constant 6 : i32
      %broadcast_in_dim3A_88 = vector.broadcast %broadcast_in_dim3A_87 : i32 to vector<16xi32>
      %add3A_89 = arith.addi %add3A_63, %broadcast_in_dim3A_88 : vector<16xi32>
      %gather3A_90 = tpu.vector_load_idx %arg5[%add3A_89] : memref<16384xf32, #tpu.memory_space<vmem>>[vector<16xi32>], vector<16xf32>,
      %broadcast_in_dim3A_91 = arith.constant 7 : i32
      %broadcast_in_dim3A_92 = vector.broadcast %broadcast_in_dim3A_91 : i32 to vector<16xi32>
      %add3A_93 = arith.addi %add3A_63, %broadcast_in_dim3A_92 : vector<16xi32>
      %gather3A_94 = tpu.vector_load_idx %arg5[%add3A_93] : memref<16384xf32, #tpu.memory_space<vmem>>[vector<16xi32>], vector<16xf32>,
      %broadcast_in_dim3A_95 = arith.constant 8 : i32
      %broadcast_in_dim3A_96 = vector.broadcast %broadcast_in_dim3A_95 : i32 to vector<16xi32>
      %add3A_97 = arith.addi %add3A_63, %broadcast_in_dim3A_96 : vector<16xi32>
      %gather3A_98 = tpu.vector_load_idx %arg5[%add3A_97] : memref<16384xf32, #tpu.memory_space<vmem>>[vector<16xi32>], vector<16xf32>,
      %broadcast_in_dim3A_99 = arith.constant 9 : i32
      %broadcast_in_dim3A_100 = vector.broadcast %broadcast_in_dim3A_99 : i32 to vector<16xi32>
      %add3A_101 = arith.addi %add3A_63, %broadcast_in_dim3A_100 : vector<16xi32>
      %gather3A_102 = tpu.vector_load_idx %arg5[%add3A_101] : memref<16384xf32, #tpu.memory_space<vmem>>[vector<16xi32>], vector<16xf32>,
      %broadcast_in_dim3A_103 = arith.constant 10 : i32
      %broadcast_in_dim3A_104 = vector.broadcast %broadcast_in_dim3A_103 : i32 to vector<16xi32>
      %add3A_105 = arith.addi %add3A_63, %broadcast_in_dim3A_104 : vector<16xi32>
      %gather3A_106 = tpu.vector_load_idx %arg5[%add3A_105] : memref<16384xf32, #tpu.memory_space<vmem>>[vector<16xi32>], vector<16xf32>,
      %broadcast_in_dim3A_107 = arith.constant 11 : i32
      %broadcast_in_dim3A_108 = vector.broadcast %broadcast_in_dim3A_107 : i32 to vector<16xi32>
      %add3A_109 = arith.addi %add3A_63, %broadcast_in_dim3A_108 : vector<16xi32>
      %gather3A_110 = tpu.vector_load_idx %arg5[%add3A_109] : memref<16384xf32, #tpu.memory_space<vmem>>[vector<16xi32>], vector<16xf32>,
      %broadcast_in_dim3A_111 = arith.constant 12 : i32
      %broadcast_in_dim3A_112 = vector.broadcast %broadcast_in_dim3A_111 : i32 to vector<16xi32>
      %add3A_113 = arith.addi %add3A_63, %broadcast_in_dim3A_112 : vector<16xi32>
      %gather3A_114 = tpu.vector_load_idx %arg5[%add3A_113] : memref<16384xf32, #tpu.memory_space<vmem>>[vector<16xi32>], vector<16xf32>,
      %broadcast_in_dim3A_115 = arith.constant 13 : i32
      %broadcast_in_dim3A_116 = vector.broadcast %broadcast_in_dim3A_115 : i32 to vector<16xi32>
      %add3A_117 = arith.addi %add3A_63, %broadcast_in_dim3A_116 : vector<16xi32>
      %gather3A_118 = tpu.vector_load_idx %arg5[%add3A_117] : memref<16384xf32, #tpu.memory_space<vmem>>[vector<16xi32>], vector<16xf32>,
      %broadcast_in_dim3A_119 = arith.constant 14 : i32
      %broadcast_in_dim3A_120 = vector.broadcast %broadcast_in_dim3A_119 : i32 to vector<16xi32>
      %add3A_121 = arith.addi %add3A_63, %broadcast_in_dim3A_120 : vector<16xi32>
      %gather3A_122 = tpu.vector_load_idx %arg5[%add3A_121] : memref<16384xf32, #tpu.memory_space<vmem>>[vector<16xi32>], vector<16xf32>,
      %broadcast_in_dim3A_123 = arith.constant 15 : i32
      %broadcast_in_dim3A_124 = vector.broadcast %broadcast_in_dim3A_123 : i32 to vector<16xi32>
      %add3A_125 = arith.addi %add3A_63, %broadcast_in_dim3A_124 : vector<16xi32>
      %gather3A_126 = tpu.vector_load_idx %arg5[%add3A_125] : memref<16384xf32, #tpu.memory_space<vmem>>[vector<16xi32>], vector<16xf32>,
      %broadcast_in_dim3A_127 = arith.constant 0 : i32
      %broadcast_in_dim3A_128 = vector.broadcast %broadcast_in_dim3A_127 : i32 to vector<16xi32>
      %broadcast_in_dim3A_129 = arith.constant 0xFF800000 : f32
      %broadcast_in_dim3A_130 = vector.broadcast %broadcast_in_dim3A_129 : f32 to vector<16xf32>
      %broadcast_in_dim3A_131 = arith.constant 0 : i32
      %broadcast_in_dim3A_132 = vector.broadcast %broadcast_in_dim3A_131 : i32 to vector<16xi32>
      %broadcast_in_dim3A_133 = arith.constant 1 : i32
      %broadcast_in_dim3A_134 = vector.broadcast %broadcast_in_dim3A_133 : i32 to vector<16xi32>
      %gt3A = arith.cmpf ogt, %gather3A_70, %gather3A : vector<16xf32>
      %gt3A_135 = arith.cmpf ogt, %gather3A_70, %broadcast_in_dim3A_130 : vector<16xf32>
      %select_n3A_136 = arith.select %gt3A_135, %gather3A_70, %broadcast_in_dim3A_130 : vector<16xi1>, vector<16xf32>
      %select_n3A_137 = arith.select %gt3A, %gather3A, %select_n3A_136 : vector<16xi1>, vector<16xf32>
      %select_n3A_138 = arith.select %gt3A_135, %broadcast_in_dim3A_134, %broadcast_in_dim3A_132 : vector<16xi1>, vector<16xi32>
      %select_n3A_139 = arith.select %gt3A, %broadcast_in_dim3A_128, %select_n3A_138 : vector<16xi1>, vector<16xi32>
      %select_n3A_140 = arith.select %gt3A, %gather3A_70, %gather3A : vector<16xi1>, vector<16xf32>
      %select_n3A_141 = arith.select %gt3A, %broadcast_in_dim3A_134, %broadcast_in_dim3A_128 : vector<16xi1>, vector<16xi32>
      %broadcast_in_dim3A_142 = arith.constant 2 : i32
      %broadcast_in_dim3A_143 = vector.broadcast %broadcast_in_dim3A_142 : i32 to vector<16xi32>
      %gt3A_144 = arith.cmpf ogt, %gather3A_74, %select_n3A_140 : vector<16xf32>
      %gt3A_145 = arith.cmpf ogt, %gather3A_74, %select_n3A_137 : vector<16xf32>
      %select_n3A_146 = arith.select %gt3A_145, %gather3A_74, %select_n3A_137 : vector<16xi1>, vector<16xf32>
      %select_n3A_147 = arith.select %gt3A_144, %select_n3A_140, %select_n3A_146 : vector<16xi1>, vector<16xf32>
      %select_n3A_148 = arith.select %gt3A_145, %broadcast_in_dim3A_143, %select_n3A_139 : vector<16xi1>, vector<16xi32>
      %select_n3A_149 = arith.select %gt3A_144, %select_n3A_141, %select_n3A_148 : vector<16xi1>, vector<16xi32>
      %select_n3A_150 = arith.select %gt3A_144, %gather3A_74, %select_n3A_140 : vector<16xi1>, vector<16xf32>
      %select_n3A_151 = arith.select %gt3A_144, %broadcast_in_dim3A_143, %select_n3A_141 : vector<16xi1>, vector<16xi32>
      %broadcast_in_dim3A_152 = arith.constant 3 : i32
      %broadcast_in_dim3A_153 = vector.broadcast %broadcast_in_dim3A_152 : i32 to vector<16xi32>
      %gt3A_154 = arith.cmpf ogt, %gather3A_78, %select_n3A_150 : vector<16xf32>
      %gt3A_155 = arith.cmpf ogt, %gather3A_78, %select_n3A_147 : vector<16xf32>
      %select_n3A_156 = arith.select %gt3A_155, %gather3A_78, %select_n3A_147 : vector<16xi1>, vector<16xf32>
      %select_n3A_157 = arith.select %gt3A_154, %select_n3A_150, %select_n3A_156 : vector<16xi1>, vector<16xf32>
      %select_n3A_158 = arith.select %gt3A_155, %broadcast_in_dim3A_153, %select_n3A_149 : vector<16xi1>, vector<16xi32>
      %select_n3A_159 = arith.select %gt3A_154, %select_n3A_151, %select_n3A_158 : vector<16xi1>, vector<16xi32>
      %select_n3A_160 = arith.select %gt3A_154, %gather3A_78, %select_n3A_150 : vector<16xi1>, vector<16xf32>
      %select_n3A_161 = arith.select %gt3A_154, %broadcast_in_dim3A_153, %select_n3A_151 : vector<16xi1>, vector<16xi32>
      %broadcast_in_dim3A_162 = arith.constant 4 : i32
      %broadcast_in_dim3A_163 = vector.broadcast %broadcast_in_dim3A_162 : i32 to vector<16xi32>
      %gt3A_164 = arith.cmpf ogt, %gather3A_82, %select_n3A_160 : vector<16xf32>
      %gt3A_165 = arith.cmpf ogt, %gather3A_82, %select_n3A_157 : vector<16xf32>
      %select_n3A_166 = arith.select %gt3A_165, %gather3A_82, %select_n3A_157 : vector<16xi1>, vector<16xf32>
      %select_n3A_167 = arith.select %gt3A_164, %select_n3A_160, %select_n3A_166 : vector<16xi1>, vector<16xf32>
      %select_n3A_168 = arith.select %gt3A_165, %broadcast_in_dim3A_163, %select_n3A_159 : vector<16xi1>, vector<16xi32>
      %select_n3A_169 = arith.select %gt3A_164, %select_n3A_161, %select_n3A_168 : vector<16xi1>, vector<16xi32>
      %select_n3A_170 = arith.select %gt3A_164, %gather3A_82, %select_n3A_160 : vector<16xi1>, vector<16xf32>
      %select_n3A_171 = arith.select %gt3A_164, %broadcast_in_dim3A_163, %select_n3A_161 : vector<16xi1>, vector<16xi32>
      %broadcast_in_dim3A_172 = arith.constant 5 : i32
      %broadcast_in_dim3A_173 = vector.broadcast %broadcast_in_dim3A_172 : i32 to vector<16xi32>
      %gt3A_174 = arith.cmpf ogt, %gather3A_86, %select_n3A_170 : vector<16xf32>
      %gt3A_175 = arith.cmpf ogt, %gather3A_86, %select_n3A_167 : vector<16xf32>
      %select_n3A_176 = arith.select %gt3A_175, %gather3A_86, %select_n3A_167 : vector<16xi1>, vector<16xf32>
      %select_n3A_177 = arith.select %gt3A_174, %select_n3A_170, %select_n3A_176 : vector<16xi1>, vector<16xf32>
      %select_n3A_178 = arith.select %gt3A_175, %broadcast_in_dim3A_173, %select_n3A_169 : vector<16xi1>, vector<16xi32>
      %select_n3A_179 = arith.select %gt3A_174, %select_n3A_171, %select_n3A_178 : vector<16xi1>, vector<16xi32>
      %select_n3A_180 = arith.select %gt3A_174, %gather3A_86, %select_n3A_170 : vector<16xi1>, vector<16xf32>
      %select_n3A_181 = arith.select %gt3A_174, %broadcast_in_dim3A_173, %select_n3A_171 : vector<16xi1>, vector<16xi32>
      %broadcast_in_dim3A_182 = arith.constant 6 : i32
      %broadcast_in_dim3A_183 = vector.broadcast %broadcast_in_dim3A_182 : i32 to vector<16xi32>
      %gt3A_184 = arith.cmpf ogt, %gather3A_90, %select_n3A_180 : vector<16xf32>
      %gt3A_185 = arith.cmpf ogt, %gather3A_90, %select_n3A_177 : vector<16xf32>
      %select_n3A_186 = arith.select %gt3A_185, %gather3A_90, %select_n3A_177 : vector<16xi1>, vector<16xf32>
      %select_n3A_187 = arith.select %gt3A_184, %select_n3A_180, %select_n3A_186 : vector<16xi1>, vector<16xf32>
      %select_n3A_188 = arith.select %gt3A_185, %broadcast_in_dim3A_183, %select_n3A_179 : vector<16xi1>, vector<16xi32>
      %select_n3A_189 = arith.select %gt3A_184, %select_n3A_181, %select_n3A_188 : vector<16xi1>, vector<16xi32>
      %select_n3A_190 = arith.select %gt3A_184, %gather3A_90, %select_n3A_180 : vector<16xi1>, vector<16xf32>
      %select_n3A_191 = arith.select %gt3A_184, %broadcast_in_dim3A_183, %select_n3A_181 : vector<16xi1>, vector<16xi32>
      %broadcast_in_dim3A_192 = arith.constant 7 : i32
      %broadcast_in_dim3A_193 = vector.broadcast %broadcast_in_dim3A_192 : i32 to vector<16xi32>
      %gt3A_194 = arith.cmpf ogt, %gather3A_94, %select_n3A_190 : vector<16xf32>
      %gt3A_195 = arith.cmpf ogt, %gather3A_94, %select_n3A_187 : vector<16xf32>
      %select_n3A_196 = arith.select %gt3A_195, %gather3A_94, %select_n3A_187 : vector<16xi1>, vector<16xf32>
      %select_n3A_197 = arith.select %gt3A_194, %select_n3A_190, %select_n3A_196 : vector<16xi1>, vector<16xf32>
      %select_n3A_198 = arith.select %gt3A_195, %broadcast_in_dim3A_193, %select_n3A_189 : vector<16xi1>, vector<16xi32>
      %select_n3A_199 = arith.select %gt3A_194, %select_n3A_191, %select_n3A_198 : vector<16xi1>, vector<16xi32>
      %select_n3A_200 = arith.select %gt3A_194, %gather3A_94, %select_n3A_190 : vector<16xi1>, vector<16xf32>
      %select_n3A_201 = arith.select %gt3A_194, %broadcast_in_dim3A_193, %select_n3A_191 : vector<16xi1>, vector<16xi32>
      %broadcast_in_dim3A_202 = arith.constant 8 : i32
      %broadcast_in_dim3A_203 = vector.broadcast %broadcast_in_dim3A_202 : i32 to vector<16xi32>
      %gt3A_204 = arith.cmpf ogt, %gather3A_98, %select_n3A_200 : vector<16xf32>
      %gt3A_205 = arith.cmpf ogt, %gather3A_98, %select_n3A_197 : vector<16xf32>
      %select_n3A_206 = arith.select %gt3A_205, %gather3A_98, %select_n3A_197 : vector<16xi1>, vector<16xf32>
      %select_n3A_207 = arith.select %gt3A_204, %select_n3A_200, %select_n3A_206 : vector<16xi1>, vector<16xf32>
      %select_n3A_208 = arith.select %gt3A_205, %broadcast_in_dim3A_203, %select_n3A_199 : vector<16xi1>, vector<16xi32>
      %select_n3A_209 = arith.select %gt3A_204, %select_n3A_201, %select_n3A_208 : vector<16xi1>, vector<16xi32>
      %select_n3A_210 = arith.select %gt3A_204, %gather3A_98, %select_n3A_200 : vector<16xi1>, vector<16xf32>
      %select_n3A_211 = arith.select %gt3A_204, %broadcast_in_dim3A_203, %select_n3A_201 : vector<16xi1>, vector<16xi32>
      %broadcast_in_dim3A_212 = arith.constant 9 : i32
      %broadcast_in_dim3A_213 = vector.broadcast %broadcast_in_dim3A_212 : i32 to vector<16xi32>
      %gt3A_214 = arith.cmpf ogt, %gather3A_102, %select_n3A_210 : vector<16xf32>
      %gt3A_215 = arith.cmpf ogt, %gather3A_102, %select_n3A_207 : vector<16xf32>
      %select_n3A_216 = arith.select %gt3A_215, %gather3A_102, %select_n3A_207 : vector<16xi1>, vector<16xf32>
      %select_n3A_217 = arith.select %gt3A_214, %select_n3A_210, %select_n3A_216 : vector<16xi1>, vector<16xf32>
      %select_n3A_218 = arith.select %gt3A_215, %broadcast_in_dim3A_213, %select_n3A_209 : vector<16xi1>, vector<16xi32>
      %select_n3A_219 = arith.select %gt3A_214, %select_n3A_211, %select_n3A_218 : vector<16xi1>, vector<16xi32>
      %select_n3A_220 = arith.select %gt3A_214, %gather3A_102, %select_n3A_210 : vector<16xi1>, vector<16xf32>
      %select_n3A_221 = arith.select %gt3A_214, %broadcast_in_dim3A_213, %select_n3A_211 : vector<16xi1>, vector<16xi32>
      %broadcast_in_dim3A_222 = arith.constant 10 : i32
      %broadcast_in_dim3A_223 = vector.broadcast %broadcast_in_dim3A_222 : i32 to vector<16xi32>
      %gt3A_224 = arith.cmpf ogt, %gather3A_106, %select_n3A_220 : vector<16xf32>
      %gt3A_225 = arith.cmpf ogt, %gather3A_106, %select_n3A_217 : vector<16xf32>
      %select_n3A_226 = arith.select %gt3A_225, %gather3A_106, %select_n3A_217 : vector<16xi1>, vector<16xf32>
      %select_n3A_227 = arith.select %gt3A_224, %select_n3A_220, %select_n3A_226 : vector<16xi1>, vector<16xf32>
      %select_n3A_228 = arith.select %gt3A_225, %broadcast_in_dim3A_223, %select_n3A_219 : vector<16xi1>, vector<16xi32>
      %select_n3A_229 = arith.select %gt3A_224, %select_n3A_221, %select_n3A_228 : vector<16xi1>, vector<16xi32>
      %select_n3A_230 = arith.select %gt3A_224, %gather3A_106, %select_n3A_220 : vector<16xi1>, vector<16xf32>
      %select_n3A_231 = arith.select %gt3A_224, %broadcast_in_dim3A_223, %select_n3A_221 : vector<16xi1>, vector<16xi32>
      %broadcast_in_dim3A_232 = arith.constant 11 : i32
      %broadcast_in_dim3A_233 = vector.broadcast %broadcast_in_dim3A_232 : i32 to vector<16xi32>
      %gt3A_234 = arith.cmpf ogt, %gather3A_110, %select_n3A_230 : vector<16xf32>
      %gt3A_235 = arith.cmpf ogt, %gather3A_110, %select_n3A_227 : vector<16xf32>
      %select_n3A_236 = arith.select %gt3A_235, %gather3A_110, %select_n3A_227 : vector<16xi1>, vector<16xf32>
      %select_n3A_237 = arith.select %gt3A_234, %select_n3A_230, %select_n3A_236 : vector<16xi1>, vector<16xf32>
      %select_n3A_238 = arith.select %gt3A_235, %broadcast_in_dim3A_233, %select_n3A_229 : vector<16xi1>, vector<16xi32>
      %select_n3A_239 = arith.select %gt3A_234, %select_n3A_231, %select_n3A_238 : vector<16xi1>, vector<16xi32>
      %select_n3A_240 = arith.select %gt3A_234, %gather3A_110, %select_n3A_230 : vector<16xi1>, vector<16xf32>
      %select_n3A_241 = arith.select %gt3A_234, %broadcast_in_dim3A_233, %select_n3A_231 : vector<16xi1>, vector<16xi32>
      %broadcast_in_dim3A_242 = arith.constant 12 : i32
      %broadcast_in_dim3A_243 = vector.broadcast %broadcast_in_dim3A_242 : i32 to vector<16xi32>
      %gt3A_244 = arith.cmpf ogt, %gather3A_114, %select_n3A_240 : vector<16xf32>
      %gt3A_245 = arith.cmpf ogt, %gather3A_114, %select_n3A_237 : vector<16xf32>
      %select_n3A_246 = arith.select %gt3A_245, %gather3A_114, %select_n3A_237 : vector<16xi1>, vector<16xf32>
      %select_n3A_247 = arith.select %gt3A_244, %select_n3A_240, %select_n3A_246 : vector<16xi1>, vector<16xf32>
      %select_n3A_248 = arith.select %gt3A_245, %broadcast_in_dim3A_243, %select_n3A_239 : vector<16xi1>, vector<16xi32>
      %select_n3A_249 = arith.select %gt3A_244, %select_n3A_241, %select_n3A_248 : vector<16xi1>, vector<16xi32>
      %select_n3A_250 = arith.select %gt3A_244, %gather3A_114, %select_n3A_240 : vector<16xi1>, vector<16xf32>
      %select_n3A_251 = arith.select %gt3A_244, %broadcast_in_dim3A_243, %select_n3A_241 : vector<16xi1>, vector<16xi32>
      %broadcast_in_dim3A_252 = arith.constant 13 : i32
      %broadcast_in_dim3A_253 = vector.broadcast %broadcast_in_dim3A_252 : i32 to vector<16xi32>
      %gt3A_254 = arith.cmpf ogt, %gather3A_118, %select_n3A_250 : vector<16xf32>
      %gt3A_255 = arith.cmpf ogt, %gather3A_118, %select_n3A_247 : vector<16xf32>
      %select_n3A_256 = arith.select %gt3A_255, %gather3A_118, %select_n3A_247 : vector<16xi1>, vector<16xf32>
      %select_n3A_257 = arith.select %gt3A_254, %select_n3A_250, %select_n3A_256 : vector<16xi1>, vector<16xf32>
      %select_n3A_258 = arith.select %gt3A_255, %broadcast_in_dim3A_253, %select_n3A_249 : vector<16xi1>, vector<16xi32>
      %select_n3A_259 = arith.select %gt3A_254, %select_n3A_251, %select_n3A_258 : vector<16xi1>, vector<16xi32>
      %select_n3A_260 = arith.select %gt3A_254, %gather3A_118, %select_n3A_250 : vector<16xi1>, vector<16xf32>
      %select_n3A_261 = arith.select %gt3A_254, %broadcast_in_dim3A_253, %select_n3A_251 : vector<16xi1>, vector<16xi32>
      %broadcast_in_dim3A_262 = arith.constant 14 : i32
      %broadcast_in_dim3A_263 = vector.broadcast %broadcast_in_dim3A_262 : i32 to vector<16xi32>
      %gt3A_264 = arith.cmpf ogt, %gather3A_122, %select_n3A_260 : vector<16xf32>
      %gt3A_265 = arith.cmpf ogt, %gather3A_122, %select_n3A_257 : vector<16xf32>
      %select_n3A_266 = arith.select %gt3A_265, %gather3A_122, %select_n3A_257 : vector<16xi1>, vector<16xf32>
      %select_n3A_267 = arith.select %gt3A_264, %select_n3A_260, %select_n3A_266 : vector<16xi1>, vector<16xf32>
      %select_n3A_268 = arith.select %gt3A_265, %broadcast_in_dim3A_263, %select_n3A_259 : vector<16xi1>, vector<16xi32>
      %select_n3A_269 = arith.select %gt3A_264, %select_n3A_261, %select_n3A_268 : vector<16xi1>, vector<16xi32>
      %select_n3A_270 = arith.select %gt3A_264, %gather3A_122, %select_n3A_260 : vector<16xi1>, vector<16xf32>
      %select_n3A_271 = arith.select %gt3A_264, %broadcast_in_dim3A_263, %select_n3A_261 : vector<16xi1>, vector<16xi32>
      %broadcast_in_dim3A_272 = arith.constant 15 : i32
      %broadcast_in_dim3A_273 = vector.broadcast %broadcast_in_dim3A_272 : i32 to vector<16xi32>
      %gt3A_274 = arith.cmpf ogt, %gather3A_126, %select_n3A_270 : vector<16xf32>
      %gt3A_275 = arith.cmpf ogt, %gather3A_126, %select_n3A_267 : vector<16xf32>
      %select_n3A_276 = arith.select %gt3A_275, %gather3A_126, %select_n3A_267 : vector<16xi1>, vector<16xf32>
      %select_n3A_277 = arith.select %gt3A_274, %select_n3A_270, %select_n3A_276 : vector<16xi1>, vector<16xf32>
      %select_n3A_278 = arith.select %gt3A_275, %broadcast_in_dim3A_273, %select_n3A_269 : vector<16xi1>, vector<16xi32>
      %select_n3A_279 = arith.select %gt3A_274, %select_n3A_271, %select_n3A_278 : vector<16xi1>, vector<16xi32>
      %select_n3A_280 = arith.select %gt3A_274, %gather3A_126, %select_n3A_270 : vector<16xi1>, vector<16xf32>
      %select_n3A_281 = arith.select %gt3A_274, %broadcast_in_dim3A_273, %select_n3A_271 : vector<16xi1>, vector<16xi32>
      %sub3A_282 = arith.subf %select_n3A_277, %select_n3A_280 : vector<16xf32>
      %exp3A = math.exp %sub3A_282 : vector<16xf32>
      %broadcast_in_dim3A_283 = arith.constant 1.000000e+00 : f32
      %broadcast_in_dim3A_284 = vector.broadcast %broadcast_in_dim3A_283 : f32 to vector<16xf32>
      %add3A_285 = arith.addf %broadcast_in_dim3A_284, %exp3A : vector<16xf32>
      %div3A_286 = arith.divf %broadcast_in_dim3A_284, %add3A_285 : vector<16xf32>
      %div3A_287 = arith.divf %exp3A, %add3A_285 : vector<16xf32>
      %broadcast_in_dim3A_288 = arith.constant 0 : i32
      %broadcast_in_dim3A_289 = vector.broadcast %broadcast_in_dim3A_288 : i32 to vector<16xi32>
      %broadcast_in_dim3A_290 = arith.constant 1 : i32
      %broadcast_in_dim3A_291 = vector.broadcast %broadcast_in_dim3A_290 : i32 to vector<16xi32>
      tpu.vector_store_idx %arg6[%add3A_45, %broadcast_in_dim3A_289], %div3A_286 : memref<256x2xf32, #tpu.memory_space<vmem>>[vector<16xi32>, vector<16xi32>], vector<16xf32>,
      tpu.vector_store_idx %arg6[%add3A_45, %broadcast_in_dim3A_291], %div3A_287 : memref<256x2xf32, #tpu.memory_space<vmem>>[vector<16xi32>, vector<16xi32>], vector<16xf32>,
      tpu.vector_store_idx %arg7[%add3A_45, %broadcast_in_dim3A_289], %select_n3A_281 : memref<256x2xi32, #tpu.memory_space<vmem>>[vector<16xi32>, vector<16xi32>], vector<16xi32>,
      tpu.vector_store_idx %arg7[%add3A_45, %broadcast_in_dim3A_291], %select_n3A_279 : memref<256x2xi32, #tpu.memory_space<vmem>>[vector<16xi32>, vector<16xi32>], vector<16xi32>,
    }
    %scan3A_41 = arith.constant 16 : i32
    "tpu.region"() ({
      %run_scoped3A = tpu.sem_alloc : memref<!tpu.dma_semaphore, #tpu.memory_space<semaphore_mem>>
      %dma_start3A = arith.constant 0 : i32
      %dma_start3A_42 = tpu.memref_slice %arg3[%mul3A_2, %dma_start3A] : memref<8192x2xf32, #tpu.memory_space<hbm>> -> memref<256x2xf32, #tpu.memory_space<hbm>>
      %dma_start3A_43 = arith.constant 0 : i32
      %dma_start3A_44 = tpu.memref_slice %arg3[%mul3A_2, %dma_start3A_43] : memref<8192x2xf32, #tpu.memory_space<hbm>> -> memref<256x2xf32, #tpu.memory_space<hbm>>
      tpu.enqueue_dma source(%arg6 : memref<256x2xf32, #tpu.memory_space<vmem>>) target(%dma_start3A_44 : memref<256x2xf32, #tpu.memory_space<hbm>>) target_semaphore(%run_scoped3A : memref<!tpu.dma_semaphore, #tpu.memory_space<semaphore_mem>>)
      %dma_wait3A = arith.constant 0 : i32
      %dma_wait3A_45 = tpu.memref_slice %arg3[%mul3A_2, %dma_wait3A] : memref<8192x2xf32, #tpu.memory_space<hbm>> -> memref<256x2xf32, #tpu.memory_space<hbm>>
      %dma_wait3A_46 = arith.constant 0 : i32
      %dma_wait3A_47 = tpu.memref_slice %arg3[%mul3A_2, %dma_wait3A_46] : memref<8192x2xf32, #tpu.memory_space<hbm>> -> memref<256x2xf32, #tpu.memory_space<hbm>>
      tpu.wait_dma2 semaphore(%run_scoped3A : memref<!tpu.dma_semaphore, #tpu.memory_space<semaphore_mem>>) src(%arg6 : memref<256x2xf32, #tpu.memory_space<vmem>>) dst(%dma_wait3A_47 : memref<256x2xf32, #tpu.memory_space<hbm>>)
      tpu.yield
    }) : () -> ()
    "tpu.region"() ({
      %run_scoped3A = tpu.sem_alloc : memref<!tpu.dma_semaphore, #tpu.memory_space<semaphore_mem>>
      %dma_start3A = arith.constant 0 : i32
      %dma_start3A_42 = tpu.memref_slice %arg4[%mul3A_2, %dma_start3A] : memref<8192x2xi32, #tpu.memory_space<hbm>> -> memref<256x2xi32, #tpu.memory_space<hbm>>
      %dma_start3A_43 = arith.constant 0 : i32
      %dma_start3A_44 = tpu.memref_slice %arg4[%mul3A_2, %dma_start3A_43] : memref<8192x2xi32, #tpu.memory_space<hbm>> -> memref<256x2xi32, #tpu.memory_space<hbm>>
      tpu.enqueue_dma source(%arg7 : memref<256x2xi32, #tpu.memory_space<vmem>>) target(%dma_start3A_44 : memref<256x2xi32, #tpu.memory_space<hbm>>) target_semaphore(%run_scoped3A : memref<!tpu.dma_semaphore, #tpu.memory_space<semaphore_mem>>)
      %dma_wait3A = arith.constant 0 : i32
      %dma_wait3A_45 = tpu.memref_slice %arg4[%mul3A_2, %dma_wait3A] : memref<8192x2xi32, #tpu.memory_space<hbm>> -> memref<256x2xi32, #tpu.memory_space<hbm>>
      %dma_wait3A_46 = arith.constant 0 : i32
      %dma_wait3A_47 = tpu.memref_slice %arg4[%mul3A_2, %dma_wait3A_46] : memref<8192x2xi32, #tpu.memory_space<hbm>> -> memref<256x2xi32, #tpu.memory_space<hbm>>
      tpu.wait_dma2 semaphore(%run_scoped3A : memref<!tpu.dma_semaphore, #tpu.memory_space<semaphore_mem>>) src(%arg7 : memref<256x2xi32, #tpu.memory_space<vmem>>) dst(%dma_wait3A_47 : memref<256x2xi32, #tpu.memory_space<hbm>>)
      tpu.yield
    }) : () -> ()
    return
  }
}

module attributes {stable_mosaic.version = 14 : i64} {
  func.func @_matmul_body(%arg0: i32, %arg1: memref<1024x2048xf32, #tpu.memory_space<vmem>>, %arg2: memref<16x2048xf32, #tpu.memory_space<vmem>>, %arg3: memref<128x128xf32, #tpu.memory_space<vmem>>) attributes {dimension_semantics = [#tpu.dimension_semantics<arbitrary>], iteration_bounds = array<i64: 8>, scalar_prefetch = 0 : i64, scratch_operands = 0 : i64, tpu.core_type = #tpu.core_type<tc>, window_params = [{transform_indices = @transform_0, window_bounds = array<i64: 1024, 2048>}, {pipeline_mode = #tpu.pipeline_mode<synchronous>, transform_indices = @transform_1, window_bounds = array<i64: 16, 2048>}, {transform_indices = @transform_2, window_bounds = array<i64: 128, 128>}]} {
    %get3A = arith.constant 0 : index
    %get3A_0 = arith.constant 0 : index
    %get3A_1 = vector.load %arg1[%get3A, %get3A_0] : memref<1024x2048xf32, #tpu.memory_space<vmem>>, vector<1024x2048xf32>
    %get3A_2 = arith.constant 0 : index
    %get3A_3 = arith.constant 0 : index
    %get3A_4 = vector.load %arg2[%get3A_2, %get3A_3] : memref<16x2048xf32, #tpu.memory_space<vmem>>, vector<16x2048xf32>
    %dot_general3A = arith.constant dense<0.000000e+00> : vector<1024x16xf32>
    %dot_general3A_5 = tpu.matmul %get3A_1, %get3A_4, %dot_general3A {dimension_numbers = #tpu.dot_dimension_numbers<[1], [1], [0], [0], [0, 0, 1, 0], [], []>, transpose_lhs_hint = false} : vector<1024x2048xf32>, vector<16x2048xf32>, vector<1024x16xf32> -> vector<1024x16xf32>
    %slice3A = vector.extract_strided_slice %dot_general3A_5 {offsets = [0, 0], sizes = [128, 16], strides = [1, 1]} : vector<1024x16xf32> to vector<128x16xf32>
    %slice3A_6 = vector.extract_strided_slice %dot_general3A_5 {offsets = [128, 0], sizes = [128, 16], strides = [1, 1]} : vector<1024x16xf32> to vector<128x16xf32>
    %slice3A_7 = vector.extract_strided_slice %dot_general3A_5 {offsets = [256, 0], sizes = [128, 16], strides = [1, 1]} : vector<1024x16xf32> to vector<128x16xf32>
    %slice3A_8 = vector.extract_strided_slice %dot_general3A_5 {offsets = [384, 0], sizes = [128, 16], strides = [1, 1]} : vector<1024x16xf32> to vector<128x16xf32>
    %slice3A_9 = vector.extract_strided_slice %dot_general3A_5 {offsets = [512, 0], sizes = [128, 16], strides = [1, 1]} : vector<1024x16xf32> to vector<128x16xf32>
    %slice3A_10 = vector.extract_strided_slice %dot_general3A_5 {offsets = [640, 0], sizes = [128, 16], strides = [1, 1]} : vector<1024x16xf32> to vector<128x16xf32>
    %slice3A_11 = vector.extract_strided_slice %dot_general3A_5 {offsets = [768, 0], sizes = [128, 16], strides = [1, 1]} : vector<1024x16xf32> to vector<128x16xf32>
    %slice3A_12 = vector.extract_strided_slice %dot_general3A_5 {offsets = [896, 0], sizes = [128, 16], strides = [1, 1]} : vector<1024x16xf32> to vector<128x16xf32>
    %concatenate3A = tpu.concatenate %slice3A, %slice3A_6, %slice3A_7, %slice3A_8, %slice3A_9, %slice3A_10, %slice3A_11, %slice3A_12 in 1 : vector<128x16xf32>, vector<128x16xf32>, vector<128x16xf32>, vector<128x16xf32>, vector<128x16xf32>, vector<128x16xf32>, vector<128x16xf32>, vector<128x16xf32> -> vector<128x128xf32>
    %swap3A = arith.constant 0 : index
    %swap3A_13 = arith.constant 0 : index
    %swap3A_14 = vector.load %arg3[%swap3A, %swap3A_13] : memref<128x128xf32, #tpu.memory_space<vmem>>, vector<128x128xf32>
    tpu.vector_store %arg3[%swap3A, %swap3A_13], %concatenate3A {strides = array<i32>} : memref<128x128xf32, #tpu.memory_space<vmem>>, vector<128x128xf32>,
    return
  }
  func.func @transform_0(%arg0: i32) -> (i32, i32) {
    %add3A = arith.constant 0 : i32
    %add3A_0 = arith.addi %arg0, %add3A : i32
    %c0_i32 = arith.constant 0 : i32
    %c0_i32_1 = arith.constant 0 : i32
    return %add3A_0, %c0_i32 : i32, i32
  }
  func.func @transform_1(%arg0: i32) -> (i32, i32) {
    %c0_i32 = arith.constant 0 : i32
    %c0_i32_0 = arith.constant 0 : i32
    %c0_i32_1 = arith.constant 0 : i32
    return %c0_i32, %c0_i32_0 : i32, i32
  }
  func.func @transform_2(%arg0: i32) -> (i32, i32) {
    %c0_i32 = arith.constant 0 : i32
    %c0_i32_0 = arith.constant 0 : i32
    return %arg0, %c0_i32 : i32, i32
  }
}

</mosaic_0001>

<sc_bundles>
// kernel: kernel.4.cloned.1.call-start
scs
__scs_entry_jumppad:
0x0: {  	(pc) =	sbr.rel $0x88, $3  }
0x1: {  	(tag) =	ssettag $0x0;
	lr =	simm.s32 $0x1  }
0x2: {  	[smem:$0x3F9F] =	sst lr;
	_ =	strace $0xD0000000  }
0x3: {  	_ = 	snop  }
0x4: {  	_ = 	snop  }
0x5: {  	_ = 	snop  }
0x6: {  	_ = 	snop  }
0x7: {  	_ = 	snop  }
__scs_overlays_trampoline_lowered:
0x8: {  	[smem:$0x3FAE] =	sst s0  }
0x9: {  	[smem:$0x3FAF] =	sst s1  }
0xa: {  	[smem:$0x3FB0] =	sst s2  }
0xb: {  	[smem:$0x3FB1] =	sst s3  }
0xc: {  	[smem:$0x3FB2] =	sst s4  }
0xd: {  	[smem:$0x3FB3] =	sst s5  }
0xe: {  	[smem:$0x3FB4] =	sst s6  }
0xf: {  	[smem:$0x3FB5] =	sst s7  }
0x10: {  	[smem:$0x3FB6] =	sst s8  }
0x11: {  	[smem:$0x3FB7] =	sst s9;
	s0 =	simm.s32 @!p0 $0x0  }
0x12: {  	s1 =	sld [smem:$0x3F9D];
	s0 =	simm.s32 @p0 $0x1  }
0x13: {  	[smem:$0x3FB8] =	sst s0;
	s0 =	simm.s32 @!p1 $0x0  }
0x14: {  	s2 =	sld [smem:$0x3F9C];
	s0 =	simm.s32 @p1 $0x1  }
0x15: {  	[smem:$0x3FB9] =	sst s0;
	s0 =	simm.s32 @!p2 $0x0  }
0x16: {  	s3 =	sld [smem:$0x3FDB];
	s0 =	simm.s32 @p2 $0x1  }
0x17: {  	s4 =	simm.s32 $0x1BF5;
	[smem:$0x3FBB] =	sst s0  }
0x18: {  	s0 =	sld [smem:$0x3F9E];
	_ =	swait.ge [sflag:s4], $0x0  }
0x19: {  	s7 =	sld [smem:$0x3F9F]  }
0x1a: {  	s8 =	sadd.s32 $0xFFFFE003, lr  }
0x1b: {  	s9 =	sadd.s32 $0xFFFFFEF7, lr;
	s5 =	simm.s32 $0xFFFFFFFF;
	p2 =	slt.u32 s8, $0xFFFFF086  }
0x1c: {  	p1 =	slt.u32 s9, $0xF7A;
	s5 =	simm.s32 @!p2 $0x0  }
0x1d: {  	s5 =	simm.s32 @p1 $0x1;
	p0 =	seq.s32 s7, s2  }
0x1e: {  	s7 =	smul.u32 @!p0 $0xF7A, s2;
	p2 =	seq.s32 @!p0 s5, $0x0  }
0x1f: {  	s9 =	smul.u32 $0xF7A, s1;
	s8 =	simm.s32 @!p0 $0x1BF5;
	p2 =	por !p2, p0  }
0x20: {  	[sflag:s8] =	ssyncset.s32 @!p0 $0xFFFFF086;
	s6 =	sadd.s32 @!p0 s3, s7;
	s7 =	simm.s32 @!p0 $0x108  }
0x21: {  	s3 =	sadd.s32 s3, s9;
	s6 =	sadd.s32 @!p0 $0x88, s6;
	s7 =	simm.s32 @p2 $0x1082  }
0x22: {  	[simem:s7], [sflag:s8] =	dma.local @!p0 [hbm:s6], $0xF7A  }
0x23: {  	s9 =	sor.u32 $0xD0000000, s2;
	s6 =	simm.s32 $0x108;
	_ =	swait.ge @!p0 [sflag:s8], $0x0  }
0x24: {  	s3 =	sadd.s32 $0x88, s3;
	s6 =	simm.s32 @!p1 $0x1082;
	[sflag:s4] =	ssyncset.s32 $0xFFFFF086  }
0x25: {  	[simem:s6], [sflag:s4] =	dma.local [hbm:s3], $0xF7A  }
0x26: {  	[smem:$0x3F9F] =	sst s1;
	(tag) =	ssettag s2;
	_ =	strace s9  }
0x27: {  	s1 =	sld [smem:$0x3FAF]  }
0x28: {  	s2 =	sld [smem:$0x3FB0]  }
0x29: {  	s4 =	sld [smem:$0x3FB2]  }
0x2a: {  	p0 =	seq.s32 s5, $0x0;
	s5 =	sld [smem:$0x3FB3]  }
0x2b: {  	s6 =	sld [smem:$0x3FB4]  }
0x2c: {  	s7 =	sld [smem:$0x3FB5]  }
0x2d: {  	s3 =	simm.s32 $0x108;
	s8 =	sld [smem:$0x3FB6]  }
0x2e: {  	s3 =	simm.s32 @!p0 $0x1082;
	s9 =	sld [smem:$0x3FB7]  }
0x2f: {  	lr =	sadd.s32 s0, s3;
	s0 =	sld [smem:$0x3FAE]  }
0x30: {  	s3 =	sld [smem:$0x3FB1]  }
0x31: {  	[smem:$0x3FBA] =	sst s10  }
0x32: {  	s10 =	sld [smem:$0x3FB8];
	_ =	sdelay $0x3  }
0x33: {  	p0 =	seq.s32 s10, $0x1;
	s10 =	sld [smem:$0x3FBA];
	_ =	sdelay $0x3  }
0x34: {  	[smem:$0x3FBA] =	sst s10  }
0x35: {  	s10 =	sld [smem:$0x3FB9];
	_ =	sdelay $0x3  }
0x36: {  	p1 =	seq.s32 s10, $0x1;
	s10 =	sld [smem:$0x3FBA];
	_ =	sdelay $0x3  }
0x37: {  	[smem:$0x3FBA] =	sst s10  }
0x38: {  	s10 =	sld [smem:$0x3FBB]  }
0x39: {  	_ = 	snop;
	(pc) =	sbr.ind lr, $3  }
0x3a: {  	_ = 	snop  }
0x3b: {  	_ = 	snop  }
0x3c: {  	p2 =	seq.s32 s10, $0x1;
	s10 =	sld [smem:$0x3FBA]  }
0x3d: {  	_ =	shalt  }
0x3e: {  	_ =	shalt  }
0x3f: {  	_ =	shalt  }
0x40: {  	_ =	shalt  }
0x41: {  	_ =	shalt  }
0x42: {  	_ =	shalt  }
0x43: {  	_ =	shalt  }
0x44: {  	_ =	shalt  }
0x45: {  	_ =	shalt  }
0x46: {  	_ =	shalt  }
0x47: {  	_ =	shalt  }
0x48: {  	_ =	shalt  }
0x49: {  	_ =	shalt  }
0x4a: {  	_ =	shalt  }
0x4b: {  	_ =	shalt  }
0x4c: {  	_ =	shalt  }
0x4d: {  	_ =	shalt  }
0x4e: {  	_ =	shalt  }
0x4f: {  	_ =	shalt  }
0x50: {  	_ =	shalt  }
0x51: {  	_ =	shalt  }
0x52: {  	_ =	shalt  }
0x53: {  	_ =	shalt  }
0x54: {  	_ =	shalt  }
0x55: {  	_ =	shalt  }
0x56: {  	_ =	shalt  }
0x57: {  	_ =	shalt  }
0x58: {  	_ =	shalt  }
0x59: {  	_ =	shalt  }
0x5a: {  	_ =	shalt  }
0x5b: {  	_ =	shalt  }
0x5c: {  	_ =	shalt  }
0x5d: {  	_ =	shalt  }
0x5e: {  	_ =	shalt  }
0x5f: {  	_ =	shalt  }
0x60: {  	_ =	shalt  }
0x61: {  	_ =	shalt  }
0x62: {  	_ =	shalt  }
0x63: {  	_ =	shalt  }
0x64: {  	_ =	shalt  }
0x65: {  	_ =	shalt  }
0x66: {  	_ =	shalt  }
0x67: {  	_ =	shalt  }
0x68: {  	_ =	shalt  }
0x69: {  	_ =	shalt  }
0x6a: {  	_ =	shalt  }
0x6b: {  	_ =	shalt  }
0x6c: {  	_ =	shalt  }
0x6d: {  	_ =	shalt  }
0x6e: {  	_ =	shalt  }
0x6f: {  	_ =	shalt  }
0x70: {  	_ =	shalt  }
0x71: {  	_ =	shalt  }
0x72: {  	_ =	shalt  }
0x73: {  	_ =	shalt  }
0x74: {  	_ =	shalt  }
0x75: {  	_ =	shalt  }
0x76: {  	_ =	shalt  }
0x77: {  	_ =	shalt  }
0x78: {  	_ =	shalt  }
0x79: {  	_ =	shalt  }
0x7a: {  	_ =	shalt  }
0x7b: {  	_ =	shalt  }
0x7c: {  	_ =	shalt  }
0x7d: {  	_ =	shalt  }
0x7e: {  	_ =	shalt  }
0x7f: {  	_ =	shalt  }
0x80: {  	_ =	shalt  }
0x81: {  	_ =	shalt  }
0x82: {  	_ =	shalt  }
0x83: {  	_ =	shalt  }
0x84: {  	_ =	shalt  }
0x85: {  	_ =	shalt  }
0x86: {  	_ =	shalt  }
0x87: {  	_ =	shalt  }
.Lfunc_end0:
.L_simem_size_0:
called_computation_lowered:
.L_overlay_start_0:
0x88: {  	s2 =	sld [smem:$0x3FD9]  }
0x89: {  	s3 =	sld [smem:$0x3FFE];
	_ =	sdelay $0x1  }
0x8a: {  	s1 =	srdreg.scid  }
0x8b: {  	s0 =	sand.u32 $0x1, s1  }
0x8c: {  	s16 =	sshll.u32 s0, $0xA;
	s2 =	sadd.s32 s3, s2  }
0x8d: {  	s2 =	sadd.s32 s2, s16  }
0x8e: {  	[smem:$0x3FC6] =	sst s2  }
0x8f: {  	_ = 	snop  }
0x90: {  	(tm) =	ssettm $0x1  }
0x91: {  	s17 =	sld [smem:$0x3FFB];
	_ =	sdelay $0x3  }
0x92: {  	_ =	strace s17  }
0x93: {  	s2 =	sld [smem:$0x3FFC];
	_ =	sdelay $0x3  }
0x94: {  	_ =	strace s2  }
0x95: {  	s2 =	sld [smem:$0x3FFD];
	_ =	sdelay $0x3  }
0x96: {  	_ =	strace s2  }
0x97: {  	_ =	strace $0x8FFFFFFF  }
0x98: {  	s18 =	sld [smem:$0x3FDB];
	_ =	sdelay $0x1  }
0x99: {  	s19 =	simm.s32 $_scs_section_size  }
0x9a: {  	s4 =	simm.s32 $_size__tile_overlayer_lowered;
	s5 =	simm.s32 $_tile_overlayer_lowered  }
0x9b: {  	s22 =	simm.s32 $0x1BFF;
	s21 =	sshll.u32 s5, $0x1;
	s2 =	sadd.s32 s19, s18  }
0x9c: {  	s6 =	simm.s32 $0x0;
	s20 =	sshll.u32 s4, $0x1;
	s4 =	sadd.s32 s21, s2  }
0x9d: {  	[timem:s6], [sflag:s22] =	dma.local [hbm:s4], s20  }
0x9e: {  	_ =	swait.ge [sflag:s22], s20  }
0x9f: {  	s3 =	ssub.s32 $0x0, s20;
	[sflag:s22] =	ssyncset.done $0x0  }
0xa0: {  	[sflag:s22] =	ssyncadd.s32 s3;
	_ =	sdelay $0x1  }
0xa1: {  	s23 =	simm.s32 $0x1B8B  }
0xa2: {  	_ =	swait.ge [sflag:s23], $0x1  }
0xa3: {  	[sflag:s23] =	ssyncset.done $0x0  }
0xa4: {  	s25 =	simm.s32 $0x1B8E;
	s24 =	sld [smem:$0x3FFE];
	[sflag:s23] =	ssyncadd.s32 $0xFFFFFFFF  }
0xa5: {  	s26 =	simm.s32 $execute0_lowered;
	[smem:$0x3FD2] =	sst s25  }
0xa6: {  	s4 =	sshll.u32 s26, $0x1;
	_ =	strace $0x80000046;
	[dreg:$0x1] =	wrdreg $0xFFFFFFFF  }
0xa7: {  	s28 =	simm.s32 $_size_execute0_lowered;
	s2 =	sadd.s32 s2, s4;
	[dreg:$0x0] =	wrdreg $0x0  }
0xa8: {  	s4 =	sshll.u32 s28, $0x1;
	[dreg:$0x2] =	wrdreg s2  }
0xa9: {  	[dreg:$0x3] =	wrdreg s4  }
0xaa: {  	[dreg:$0x4] =	wrdreg $0xC0  }
0xab: {  	_ =	task [dreg:s6], $0x5FFFF  }
0xac: {  	[dreg:$0x1] =	wrdreg $0xFFFFFFFF  }
0xad: {  	[dreg:$0x0] =	wrdreg $0x60  }
0xae: {  	[dreg:$0x2] =	wrdreg s24  }
0xaf: {  	[dreg:$0x3] =	wrdreg $0x9  }
0xb0: {  	_ =	task.clear_ibuf [dreg:s6], $0x4FFFF;
	_ =	strace $0x90000046  }
0xb1: {  	s29 =	simm.s32 $0x9;
	_ =	strace $0x80000048  }
0xb2: {  	_ =	swait.ge [sflag:s29], $0x1  }
0xb3: {  	[sflag:s29] =	ssyncadd.s32 $0xFFFFFFFF  }
0xb4: {  	_ =	strace $0x90000048  }
0xb5: {  	_ =	sfence  }
0xb6: {  	s30 =	sld [smem:$0x0];
	_ =	sdelay $0x2  }
0xb7: {  	s31 =	sshll.u32 s1, $0xD;
	s1 =	sshrl.u32 s1, $0x2  }
0xb8: {  	s3 =	sand.u32 $0x4000, s31;
	s1 =	sadd.s32 s1, s30  }
0xb9: {  	s0 =	sor.u32 s3, s0;
	s1 =	sshll.u32 s1, $0x11  }
0xba: {  	s0 =	sor.u32 s1, s0  }
0xbb: {  	s0 =	sadd.s32 $0x8F2B, s0  }
0xbc: {  	[sflag:s0] =	ssyncadd.remote.s32 $0x1  }
0xbd: {  	_ =	sfence.sel $0xFFFF  }
0xbe: {  	[dreg:$0x0] =	wrdreg $0xFFFFFFFF;
	(pc) =	sbr.abs _section_cstart, $3  }
0xbf: {  	[dreg:$0x1] =	wrdreg $0xFFFFFFFF  }
0xc0: {  	_ =	task.clear_ibuf [dreg:s6], $0x2FFFF;
	_ =	strace $0x9FFFFFFF  }
0xc1: {  	(tm) =	ssettm $0x7FFFFFFF  }
tec
execute0_lowered:
.L_overlay_start_1:
0x0: {  	(tag) =	ssettag $0x1  }
0x1: {  	s3 =	rddreg [dreg:$0x0]  }
0x2: {  	s0 =	rddreg [dreg:$0x1];
	s2 =	simm.s32 $0x0;
	s1 =	stileid.u32  }
0x3: {  	v0 =	vlaneseq.u32;
	s4 =	srdreg.scid;
	s9 =	simm.s32 $0x4000;
	s10 =	simm.s32 $0xC000  }
0x4: {  	s11 =	simm.s32 $0x0;
	[smem:$0x7FF] =	sst s2;
	v0 =	vmul.u32 $0x80, v0;
	s5 =	sshll.u32 s1, $0xA  }
0x5: {  	v16 =	vimm.s32 $0x0;
	s4 =	sand.u32 $0x1, s4;
	s6 =	sshll.u32 s1, $0x1;
	_ =	strace $0x80000047  }
0x6: {  	s5 =	sand.u32 $0x3800, s5;
	s6 =	sor.u32 s4, s6;
	s4 =	ssub.s32 $0x2, s4;
	v1 =	vor.u32 $0x1, v0;
	v2 =	vor.u32 $0x2, v0;
	v3 =	vor.u32 $0x3, v0  }
0x7: {  	s5 =	sadd.s32 s5, s3;
	s7 =	sshll.u32 s6, $0xC;
	s8 =	sshrl.u32 s4, $0x1;
	v4 =	vor.u32 $0x4, v0;
	v5 =	vor.u32 $0x5, v0;
	v6 =	vor.u32 $0x6, v0  }
0x8: {  	s31 =	sshll.u32 s6, $0x5;
	v7 =	vor.u32 $0x7, v0;
	v8 =	vor.u32 $0x8, v0;
	v9 =	vor.u32 $0x9, v0;
	s7 =	sadd.s32 s7, s3;
	s8 =	ssub.s32 s4, s8  }
0x9: {  	v10 =	vor.u32 $0xA, v0;
	v11 =	vor.u32 $0xB, v0;
	v12 =	vor.u32 $0xC, v0;
	s3 =	sadd.s32 $0xE00, s5;
	s4 =	sand.u32 $0x60, s31;
	s5 =	sadd.s32 $0x4E00, s7  }
0xa: {  	v13 =	vor.u32 $0xD, v0;
	v14 =	vor.u32 $0xE, v0;
	v15 =	vor.u32 $0xF, v0;
	s6 =	sadd.s32 $0x24E00, s7;
	s7 =	smax.u32 s8, $0x1;
	s8 =	simm.s32 $0x1  }
.LBB2_1:
0xb: {  	s12 =	sand.u32 $0x3800, s2  }
0xc: {  	s13 =	sand.u32 $0x10, s2;
	s12 =	sor.u32 s4, s12  }
0xd: {  	s12 =	sor.u32 s13, s12  }
0xe: {  	v17 =	vor.u32 s12, v1  }
0xf: {  	[tilespmem:s2], [sflag:$0x1] =	stream.linear.gather [hbm4b:s3+s2], $0x4000, $0x38;
	v18 =	vor.u32 s12, v0;
	[tilespmem:$0x14000] =	vst v63  }
0x10: {  	_ =	swait.ge [sflag:s8], $0x4000  }
0x11: {  	[sflag:s8] =	ssyncset.done $0x0  }
0x12: {  	[sflag:s8] =	ssyncadd.s32 $0xFFFFC000;
	v19 =	vor.u32 s12, v2  }
0x13: {  	v17 =	vld.idx.msk [tilespmem:v17+s2+$0x0], $0xffff  }
0x14: {  	v18 =	vld.idx.msk [tilespmem:v18+s2+$0x0], $0xffff;
	_ =	sdelay $0x1  }
0x15: {  	v20 =	vor.u32 s12, v3  }
0x16: {  	v19 =	vld.idx.msk [tilespmem:v19+s2+$0x0], $0xffff  }
0x17: {  	vm0 =	vlt.f32 v17, $-Inf;
	vm1 =	vgt.f32 v17, $-Inf  }
0x18: {  	v21 =	vor.u32 s12, v4;
	vm15 =	vgt.f32 v17, v18;
	vm1 =	vmor vm1, vm0  }
0x19: {  	vm7 =	vmneg vm15;
	v22 =	vnsel vm1, $0xFF800000, v17  }
0x1a: {  	v20 =	vld.idx.msk [tilespmem:v20+s2+$0x0], $0xffff;
	v22 =	vsel vm7, v22, v18  }
0x1b: {  	v17 =	vsel vm7, v18, v17;
	v18 =	vimm.s32 $0x0;
	vm6 =	vgt.f32 v19, v22  }
0x1c: {  	v23 =	vor.u32 s12, v5;
	v18 =	vsel vm6, $0xFFFFFFFF, v18  }
0x1d: {  	vm11 =	vgt.f32 v19, v17;
	[tilespmem:$0x1FF40] =	vst v18;
	v18 =	vld.idx.msk [tilespmem:v21+s2+$0x0], $0xffff;
	v21 =	vsel vm6, v19, v22  }
0x1e: {  	v22 =	vor.u32 s12, v6;
	v21 =	vsel vm11, v17, v21  }
0x1f: {  	v17 =	vsel vm11, v19, v17;
	v19 =	vimm.s32 $0x0;
	vm12 =	vgt.f32 v20, v21  }
0x20: {  	vm10 =	vgt.f32 v20, v17;
	v19 =	vsel vm12, $0xFFFFFFFF, v19;
	v21 =	vsel vm12, v20, v21  }
0x21: {  	[tilespmem:$0x1FF50] =	vst v19;
	v19 =	vld.idx.msk [tilespmem:v23+s2+$0x0], $0xffff;
	v21 =	vsel vm10, v17, v21  }
0x22: {  	v17 =	vsel vm10, v20, v17;
	v20 =	vimm.s32 $0x0;
	vm13 =	vgt.f32 v18, v21  }
0x23: {  	v23 =	vor.u32 s12, v7;
	v20 =	vsel vm13, $0xFFFFFFFF, v20  }
0x24: {  	vm8 =	vgt.f32 v18, v17;
	v21 =	vsel vm13, v18, v21;
	[tilespmem:$0x1FF60] =	vst v20;
	v20 =	vld.idx.msk [tilespmem:v22+s2+$0x0], $0xffff  }
0x25: {  	v22 =	vor.u32 s12, v8;
	v21 =	vsel vm8, v17, v21  }
0x26: {  	v17 =	vsel vm8, v18, v17;
	v18 =	vimm.s32 $0x0;
	vm14 =	vgt.f32 v19, v21  }
0x27: {  	vm9 =	vgt.f32 v19, v17;
	v18 =	vsel vm14, $0xFFFFFFFF, v18;
	v21 =	vsel vm14, v19, v21  }
0x28: {  	[tilespmem:$0x1FF70] =	vst v18;
	v18 =	vld.idx.msk [tilespmem:v23+s2+$0x0], $0xffff;
	v21 =	vsel vm9, v17, v21  }
0x29: {  	v17 =	vsel vm9, v19, v17;
	v19 =	vimm.s32 $0x0;
	vm4 =	vgt.f32 v20, v21  }
0x2a: {  	v23 =	vor.u32 s12, v9;
	v19 =	vsel vm4, $0xFFFFFFFF, v19  }
0x2b: {  	vm12 =	vgt.f32 v20, v17;
	v21 =	vsel vm4, v20, v21;
	[tilespmem:$0x1FF80] =	vst v19;
	v19 =	vld.idx.msk [tilespmem:v22+s2+$0x0], $0xffff  }
0x2c: {  	v22 =	vor.u32 s12, v10;
	v21 =	vsel vm12, v17, v21  }
0x2d: {  	v17 =	vsel vm12, v20, v17;
	v20 =	vimm.s32 $0x0;
	vm5 =	vgt.f32 v18, v21  }
0x2e: {  	vm14 =	vgt.f32 v18, v17;
	v20 =	vsel vm5, $0xFFFFFFFF, v20;
	v21 =	vsel vm5, v18, v21  }
0x2f: {  	[tilespmem:$0x1FF90] =	vst v20;
	v20 =	vld.idx.msk [tilespmem:v23+s2+$0x0], $0xffff;
	v21 =	vsel vm14, v17, v21  }
0x30: {  	v17 =	vsel vm14, v18, v17;
	v18 =	vimm.s32 $0x0;
	vm6 =	vgt.f32 v19, v21  }
0x31: {  	v23 =	vor.u32 s12, v11;
	v18 =	vsel vm6, $0xFFFFFFFF, v18  }
0x32: {  	v21 =	vsel vm6, v19, v21;
	vm6 =	vgt.f32 v19, v17;
	[tilespmem:$0x1FFA0] =	vst v18;
	v18 =	vld.idx.msk [tilespmem:v22+s2+$0x0], $0xffff  }
0x33: {  	v22 =	vor.u32 s12, v12;
	v21 =	vsel vm6, v17, v21  }
0x34: {  	v17 =	vsel vm6, v19, v17;
	v19 =	vimm.s32 $0x0;
	vm13 =	vgt.f32 v20, v21  }
0x35: {  	vm5 =	vgt.f32 v20, v17;
	v19 =	vsel vm13, $0xFFFFFFFF, v19;
	v21 =	vsel vm13, v20, v21  }
0x36: {  	[tilespmem:$0x1FFB0] =	vst v19;
	v19 =	vld.idx.msk [tilespmem:v23+s2+$0x0], $0xffff;
	v21 =	vsel vm5, v17, v21  }
0x37: {  	v17 =	vsel vm5, v20, v17;
	v20 =	vimm.s32 $0x0;
	vm4 =	vgt.f32 v18, v21  }
0x38: {  	v23 =	vor.u32 s12, v13;
	v20 =	vsel vm4, $0xFFFFFFFF, v20  }
0x39: {  	v21 =	vsel vm4, v18, v21;
	vm4 =	vgt.f32 v18, v17;
	[tilespmem:$0x1FFC0] =	vst v20;
	v20 =	vld.idx.msk [tilespmem:v22+s2+$0x0], $0xffff  }
0x3a: {  	v22 =	vor.u32 s12, v14;
	v21 =	vsel vm4, v17, v21  }
0x3b: {  	v17 =	vsel vm4, v18, v17;
	v18 =	vimm.s32 $0x0;
	vm13 =	vgt.f32 v19, v21  }
0x3c: {  	vm3 =	vgt.f32 v19, v17;
	v18 =	vsel vm13, $0xFFFFFFFF, v18;
	v21 =	vsel vm13, v19, v21  }
0x3d: {  	[tilespmem:$0x1FFD0] =	vst v18;
	v18 =	vld.idx.msk [tilespmem:v23+s2+$0x0], $0xffff;
	v21 =	vsel vm3, v17, v21  }
0x3e: {  	v17 =	vsel vm3, v19, v17;
	v19 =	vimm.s32 $0x0;
	vm13 =	vgt.f32 v20, v21  }
0x3f: {  	v19 =	vsel vm13, $0xFFFFFFFF, v19  }
0x40: {  	vm2 =	vgt.f32 v20, v17;
	v21 =	vsel vm13, v20, v21;
	[tilespmem:$0x1FFE0] =	vst v19;
	v19 =	vld.idx.msk [tilespmem:v22+s2+$0x0], $0xffff  }
0x41: {  	v21 =	vsel vm2, v17, v21  }
0x42: {  	v17 =	vsel vm2, v20, v17;
	vm13 =	vgt.f32 v18, v21  }
0x43: {  	vm0 =	vgt.f32 v18, v17;
	v21 =	vsel vm13, v18, v21  }
0x44: {  	v23 =	vor.u32 s12, v15;
	v20 =	vimm.s32 $0x0;
	v21 =	vsel vm0, v17, v21  }
0x45: {  	v20 =	vsel vm13, $0xFFFFFFFF, v20;
	v17 =	vsel vm0, v18, v17;
	vm13 =	vgt.f32 v19, v21  }
0x46: {  	vm1 =	vmand vm7, vm1;
	vm7 =	vgt.f32 v19, v17;
	v18 =	vsel vm13, v19, v21  }
0x47: {  	v18 =	vsel vm7, v17, v18;
	v17 =	vsel vm7, v19, v17;
	v19 =	vld [tilespmem:$0x1FF40];
	_ =	sdelay $0x2  }
0x48: {  	[tilespmem:$0x1FFF0] =	vst v20;
	v20 =	vld.idx.msk [tilespmem:v23+s2+$0x0], $0xffff;
	_ =	sdelay $0x1  }
0x49: {  	v21 =	vsel vm1, $0x1, v16;
	vm1 =	vnez.u8 v19  }
0x4a: {  	v19 =	vsel vm1, $0x2, v21;
	v21 =	vld [tilespmem:$0x1FF50];
	_ =	sdelay $0x1  }
0x4b: {  	v22 =	vsel vm15, $0x1, v16;
	vm15 =	vgt.f32 v20, v18  }
0x4c: {  	v18 =	vsel vm15, v20, v18;
	vm1 =	vgt.f32 v20, v17  }
0x4d: {  	v18 =	vsel vm1, v17, v18;
	v17 =	vsel vm1, v20, v17  }
0x4e: {  	v19 =	vsel vm11, v22, v19;
	v20 =	vsel vm11, $0x2, v22;
	vm11 =	vnez.u8 v21  }
0x4f: {  	v19 =	vsel vm11, $0x3, v19  }
0x50: {  	v17 =	vsub.f32 v18, v17;
	v18 =	vsel vm10, v20, v19;
	v19 =	vsel vm10, $0x3, v20;
	v20 =	vld [tilespmem:$0x1FF60];
	_ =	sdelay $0x4  }
0x51: {  	vm10 =	vnez.u8 v20;
	v20 =	vld [tilespmem:$0x1FF70];
	_ =	sdelay $0x3  }
0x52: {  	v17 =	vmul.f32 $1.442695020e+00, v17;
	v18 =	vsel vm10, $0x4, v18  }
0x53: {  	v18 =	vsel vm8, v19, v18;
	v19 =	vsel vm8, $0x4, v19;
	vm8 =	vnez.u8 v20  }
0x54: {  	v18 =	vsel vm8, $0x5, v18  }
0x55: {  	(erf) = vpow2.f32 v17;
	v17 =	vsel vm9, v19, v18;
	v18 =	vsel vm9, $0x5, v19;
	v19 =	vld [tilespmem:$0x1FF80];
	_ =	sdelay $0x4  }
0x56: {  	vm8 =	vnez.u8 v19;
	v19 =	vld [tilespmem:$0x1FF90];
	_ =	sdelay $0x3  }
0x57: {  	v17 =	vsel vm8, $0x6, v17  }
0x58: {  	v17 =	vsel vm12, v18, v17;
	v18 =	vsel vm12, $0x6, v18;
	vm12 =	vnez.u8 v19;
	v19 =	vld [tilespmem:$0x1FFA0];
	_ =	sdelay $0x4  }
0x59: {  	v17 =	vsel vm12, $0x7, v17;
	vm12 =	vnez.u8 v19;
	v19 =	vld [tilespmem:$0x1FFB0]  }
0x5a: {  	v20 =	vld [tilespmem:$0x1FFC0];
	_ =	sdelay $0x3  }
0x5b: {  	v17 =	vsel vm14, v18, v17;
	v18 =	vsel vm14, $0x7, v18;
	vm14 =	vnez.u8 v19;
	v19 =	vpop (erf)  }
0x5c: {  	vm10 =	vnez.u8 v20;
	v20 =	vadd.f32 $1.000000000e+00, v19;
	_ =	sdelay $0x1  }
0x5d: {  	(erf) = vrcp.f32 v20;
	v20 =	vld [tilespmem:$0x1FFE0]  }
0x5e: {  	v21 =	vld [tilespmem:$0x1FFD0];
	v17 =	vsel vm12, $0x8, v17  }
0x5f: {  	v17 =	vsel vm6, v18, v17  }
0x60: {  	v18 =	vsel vm6, $0x8, v18;
	v17 =	vsel vm14, $0x9, v17  }
0x61: {  	v17 =	vsel vm5, v18, v17  }
0x62: {  	v18 =	vsel vm5, $0x9, v18;
	v17 =	vsel vm10, $0xA, v17;
	vm12 =	vnez.u8 v20;
	v20 =	vld [tilespmem:$0x1FFF0]  }
0x63: {  	vm11 =	vnez.u8 v21;
	v17 =	vsel vm4, v18, v17  }
0x64: {  	v18 =	vsel vm4, $0xA, v18;
	v17 =	vsel vm11, $0xB, v17  }
0x65: {  	v17 =	vsel vm3, v18, v17  }
0x66: {  	v18 =	vsel vm3, $0xB, v18;
	v17 =	vsel vm12, $0xC, v17  }
0x67: {  	v17 =	vsel vm2, v18, v17;
	vm14 =	vnez.u8 v20  }
0x68: {  	v18 =	vsel vm2, $0xC, v18;
	v17 =	vsel vm14, $0xD, v17  }
0x69: {  	v17 =	vsel vm0, v18, v17  }
0x6a: {  	v20 =	vmov s2;
	v18 =	vsel vm0, $0xD, v18;
	v17 =	vsel vm13, $0xE, v17  }
0x6b: {  	s13 =	simm.s32 $0x800;
	v20 =	vshll.u32 v20, $0x7;
	v17 =	vsel vm7, v18, v17  }
0x6c: {  	s31 =	simm.s32 $0x2;
	s14 =	sand.u32 $0x3800, s13;
	v21 =	vor.u32 v0, v20;
	v17 =	vsel vm15, $0xF, v17  }
0x6d: {  	s14 =	sor.u32 s4, s14;
	s12 =	sand.u32 $0x10, s31;
	v20 =	vor.u32 $0x1, v21  }
0x6e: {  	s16 =	sor.u32 s12, s14;
	v22 =	vsel vm7, $0xE, v18  }
0x6f: {  	v28 =	vor.u32 s16, v0;
	v18 =	vsel vm1, v22, v17;
	v17 =	vpop (erf)  }
0x70: {  	v30 =	vor.u32 s16, v1;
	v29 =	vor.u32 s16, v2;
	v19 =	vmul.f32 v17, v19  }
0x71: {  	v27 =	vor.u32 s16, v3;
	v26 =	vor.u32 s16, v4;
	v25 =	vor.u32 s16, v5;
	[tilespmem:v21+s9+$0x0] =	vst.idx.msk $0xffff, v17  }
0x72: {  	v24 =	vor.u32 s16, v6;
	v23 =	vor.u32 s16, v7;
	v31 =	vsel vm1, $0xF, v22;
	[tilespmem:v20+s9+$0x0] =	vst.idx.msk $0xffff, v19  }
0x73: {  	s14 =	simm.s32 $0x4;
	s12 =	simm.s32 $0x0;
	v22 =	vor.u32 s16, v8;
	v17 =	vor.u32 s16, v10;
	v19 =	vor.u32 s16, v9;
	[tilespmem:v21+s10+$0x0] =	vst.idx.msk $0xffff, v31  }
.LBB2_2:
0x74: {  	p0 =	sne.s32 s14, $0x1E  }
0x75: {  	v31 =	vor.u32 s16, v11;
	v32 =	vor.u32 s16, v12;
	v21 =	vor.u32 s16, v13;
	[tilespmem:v20+s10+$0x0] =	vst.idx.msk $0xffff, v18;
	s12 =	sadd.s32 $0x10, s12;
	s15 =	smov.u32 s14;
	s14 =	sadd.s32 $0x2, s14  }
0x76: {  	v20 =	vor.u32 s16, v14;
	v18 =	vor.u32 s16, v15;
	v30 =	vld.idx.msk [tilespmem:v30+s2+$0x0], $0xffff  }
0x77: {  	v28 =	vld.idx.msk [tilespmem:v28+s2+$0x0], $0xffff;
	_ =	sdelay $0x2  }
0x78: {  	v29 =	vld.idx.msk [tilespmem:v29+s2+$0x0], $0xffff;
	_ =	sdelay $0x1  }
0x79: {  	vm0 =	vlt.f32 v30, $-Inf;
	vm1 =	vgt.f32 v30, $-Inf  }
0x7a: {  	vm2 =	vgt.f32 v30, v28;
	vm0 =	vmor vm1, vm0;
	v27 =	vld.idx.msk [tilespmem:v27+s2+$0x0], $0xffff  }
0x7b: {  	vm1 =	vmneg vm2;
	v33 =	vnsel vm0, $0xFF800000, v30  }
0x7c: {  	v33 =	vsel vm1, v33, v28;
	vm0 =	vmand vm1, vm0;
	v28 =	vsel vm1, v28, v30  }
0x7d: {  	v34 =	vsel vm2, $0x1, v16;
	v30 =	vsel vm0, $0x1, v16;
	vm0 =	vgt.f32 v29, v33;
	v26 =	vld.idx.msk [tilespmem:v26+s2+$0x0], $0xffff  }
0x7e: {  	vm1 =	vgt.f32 v29, v28;
	v33 =	vsel vm0, v29, v33;
	v30 =	vsel vm0, $0x2, v30  }
0x7f: {  	v33 =	vsel vm1, v28, v33;
	v30 =	vsel vm1, v34, v30;
	v28 =	vsel vm1, v29, v28  }
0x80: {  	v29 =	vsel vm1, $0x2, v34;
	vm0 =	vgt.f32 v27, v33;
	v25 =	vld.idx.msk [tilespmem:v25+s2+$0x0], $0xffff  }
0x81: {  	vm1 =	vgt.f32 v27, v28;
	v33 =	vsel vm0, v27, v33;
	v30 =	vsel vm0, $0x3, v30  }
0x82: {  	v27 =	vsel vm1, v27, v28;
	v33 =	vsel vm1, v28, v33;
	v30 =	vsel vm1, v29, v30  }
0x83: {  	v28 =	vsel vm1, $0x3, v29;
	vm0 =	vgt.f32 v26, v33;
	v24 =	vld.idx.msk [tilespmem:v24+s2+$0x0], $0xffff  }
0x84: {  	vm1 =	vgt.f32 v26, v27;
	v29 =	vsel vm0, v26, v33;
	v30 =	vsel vm0, $0x4, v30  }
0x85: {  	v26 =	vsel vm1, v26, v27;
	v29 =	vsel vm1, v27, v29;
	v30 =	vsel vm1, v28, v30  }
0x86: {  	v27 =	vsel vm1, $0x4, v28;
	vm0 =	vgt.f32 v25, v29;
	v23 =	vld.idx.msk [tilespmem:v23+s2+$0x0], $0xffff  }
0x87: {  	vm1 =	vgt.f32 v25, v26;
	v28 =	vsel vm0, v25, v29;
	v29 =	vsel vm0, $0x5, v30  }
0x88: {  	v25 =	vsel vm1, v25, v26;
	v28 =	vsel vm1, v26, v28;
	v29 =	vsel vm1, v27, v29  }
0x89: {  	v26 =	vsel vm1, $0x5, v27;
	vm0 =	vgt.f32 v24, v28;
	v22 =	vld.idx.msk [tilespmem:v22+s2+$0x0], $0xffff  }
0x8a: {  	vm1 =	vgt.f32 v24, v25;
	v27 =	vsel vm0, v24, v28;
	v28 =	vsel vm0, $0x6, v29  }
0x8b: {  	v27 =	vsel vm1, v25, v27;
	v28 =	vsel vm1, v26, v28;
	v26 =	vsel vm1, $0x6, v26  }
0x8c: {  	v24 =	vsel vm1, v24, v25;
	vm0 =	vgt.f32 v23, v27;
	v19 =	vld.idx.msk [tilespmem:v19+s2+$0x0], $0xffff  }
0x8d: {  	vm1 =	vgt.f32 v23, v24;
	v25 =	vsel vm0, v23, v27;
	v27 =	vsel vm0, $0x7, v28  }
0x8e: {  	v23 =	vsel vm1, v23, v24;
	v25 =	vsel vm1, v24, v25;
	v27 =	vsel vm1, v26, v27  }
0x8f: {  	v24 =	vsel vm1, $0x7, v26;
	vm0 =	vgt.f32 v22, v25;
	v17 =	vld.idx.msk [tilespmem:v17+s2+$0x0], $0xffff  }
0x90: {  	vm1 =	vgt.f32 v22, v23;
	v25 =	vsel vm0, v22, v25;
	v26 =	vsel vm0, $0x8, v27  }
0x91: {  	v22 =	vsel vm1, v22, v23;
	v25 =	vsel vm1, v23, v25;
	v26 =	vsel vm1, v24, v26  }
0x92: {  	vm0 =	vgt.f32 v19, v25;
	v23 =	vld.idx.msk [tilespmem:v31+s2+$0x0], $0xffff  }
0x93: {  	vm2 =	vgt.f32 v19, v22;
	v25 =	vsel vm0, v19, v25;
	v26 =	vsel vm0, $0x9, v26  }
0x94: {  	v19 =	vsel vm2, v19, v22;
	v25 =	vsel vm2, v22, v25  }
0x95: {  	v24 =	vsel vm1, $0x8, v24;
	vm0 =	vgt.f32 v17, v25;
	v22 =	vld.idx.msk [tilespmem:v32+s2+$0x0], $0xffff  }
0x96: {  	v26 =	vsel vm2, v24, v26;
	vm1 =	vgt.f32 v17, v19;
	v25 =	vsel vm0, v17, v25  }
0x97: {  	v24 =	vsel vm2, $0x9, v24;
	v17 =	vsel vm1, v17, v19;
	v25 =	vsel vm1, v19, v25  }
0x98: {  	v19 =	vld.idx.msk [tilespmem:v21+s2+$0x0], $0xffff;
	v21 =	vsel vm0, $0xA, v26;
	v26 =	vsel vm1, $0xA, v24;
	vm0 =	vgt.f32 v23, v25  }
0x99: {  	v21 =	vsel vm1, v24, v21;
	vm1 =	vgt.f32 v23, v17;
	v24 =	vsel vm0, v23, v25  }
0x9a: {  	v24 =	vsel vm1, v17, v24;
	v21 =	vsel vm0, $0xB, v21;
	v17 =	vsel vm1, v23, v17  }
0x9b: {  	v23 =	vsel vm1, $0xB, v26;
	v20 =	vld.idx.msk [tilespmem:v20+s2+$0x0], $0xffff;
	v21 =	vsel vm1, v26, v21;
	vm0 =	vgt.f32 v22, v24  }
0x9c: {  	vm1 =	vgt.f32 v22, v17;
	v24 =	vsel vm0, v22, v24;
	v21 =	vsel vm0, $0xC, v21  }
0x9d: {  	v24 =	vsel vm1, v17, v24;
	v21 =	vsel vm1, v23, v21;
	v17 =	vsel vm1, v22, v17  }
0x9e: {  	v22 =	vsel vm1, $0xC, v23;
	v18 =	vld.idx.msk [tilespmem:v18+s2+$0x0], $0xffff;
	vm0 =	vgt.f32 v19, v24  }
0x9f: {  	vm1 =	vgt.f32 v19, v17;
	v23 =	vsel vm0, v19, v24;
	v21 =	vsel vm0, $0xD, v21  }
0xa0: {  	v23 =	vsel vm1, v17, v23;
	v21 =	vsel vm1, v22, v21  }
0xa1: {  	v17 =	vsel vm1, v19, v17;
	vm0 =	vgt.f32 v20, v23  }
0xa2: {  	vm2 =	vgt.f32 v20, v17;
	v19 =	vsel vm0, v20, v23  }
0xa3: {  	v22 =	vsel vm1, $0xD, v22;
	v21 =	vsel vm0, $0xE, v21;
	v19 =	vsel vm2, v17, v19  }
0xa4: {  	v21 =	vsel vm2, v22, v21;
	v17 =	vsel vm2, v20, v17;
	vm1 =	vgt.f32 v18, v19  }
0xa5: {  	v22 =	vsel vm2, $0xE, v22;
	vm0 =	vgt.f32 v18, v17;
	v19 =	vsel vm1, v18, v19  }
0xa6: {  	v20 =	vsel vm1, $0xF, v21;
	v19 =	vsel vm0, v17, v19;
	v17 =	vsel vm0, v18, v17  }
0xa7: {  	v18 =	vsel vm0, v22, v20;
	v17 =	vsub.f32 v19, v17;
	_ =	sdelay $0x1  }
0xa8: {  	v17 =	vmul.f32 $1.442695020e+00, v17;
	_ =	sdelay $0x1  }
0xa9: {  	(erf) = vpow2.f32 v17;
	_ =	sdelay $0x8  }
0xaa: {  	v17 =	vpop (erf)  }
0xab: {  	v19 =	vadd.f32 $1.000000000e+00, v17;
	_ =	sdelay $0x1  }
0xac: {  	(erf) = vrcp.f32 v19;
	_ =	sdelay $0x2  }
0xad: {  	v19 =	vmov s12  }
0xae: {  	v19 =	vshll.u32 v19, $0x7  }
0xaf: {  	v21 =	vor.u32 v0, v19  }
0xb0: {  	s13 =	sadd.s32 $0x800, s13  }
0xb1: {  	s16 =	sand.u32 $0x3800, s13;
	v20 =	vor.u32 $0x1, v21  }
0xb2: {  	s15 =	sand.u32 $0x10, s15;
	s16 =	sor.u32 s4, s16  }
.Ltmp0:
0xb3: {  	s16 =	sor.u32 s15, s16;
	v31 =	vsel vm0, $0xF, v22;
	v19 =	vpop (erf);
	(pc) =	sbr.rel @p0 .LBB2_2-.Ltmp0, $4  }
0xb4: {  	v30 =	vor.u32 s16, v1;
	v28 =	vor.u32 s16, v0;
	v17 =	vmul.f32 v19, v17;
	[tilespmem:v21+s9+$0x0] =	vst.idx.msk $0xffff, v19  }
0xb5: {  	v29 =	vor.u32 s16, v2;
	v27 =	vor.u32 s16, v3;
	v26 =	vor.u32 s16, v4  }
0xb6: {  	v25 =	vor.u32 s16, v5;
	v24 =	vor.u32 s16, v6;
	v23 =	vor.u32 s16, v7;
	[tilespmem:v20+s9+$0x0] =	vst.idx.msk $0xffff, v17  }
0xb7: {  	v22 =	vor.u32 s16, v8;
	v19 =	vor.u32 s16, v9;
	v17 =	vor.u32 s16, v10;
	[tilespmem:v21+s10+$0x0] =	vst.idx.msk $0xffff, v31  }
0xb8: {  	_ =	sdelay $0x3  }
0xb9: {  	[tilespmem:v20+s10+$0x0] =	vst.idx.msk $0xffff, v18  }
0xba: {  	v18 =	vld.idx.msk [tilespmem:v30+s2+$0x0], $0xffff  }
0xbb: {  	v20 =	vld.idx.msk [tilespmem:v28+s2+$0x0], $0xffff;
	_ =	sdelay $0x3  }
0xbc: {  	v55 =	vimm.s32 $0x0  }
0xbd: {  	v21 =	vld.idx.msk [tilespmem:v29+s2+$0x0], $0xffff;
	vm0 =	vlt.f32 v18, $-Inf;
	vm1 =	vgt.f32 v18, $-Inf;
	vm2 =	vgt.f32 v18, v20  }
0xbe: {  	v56 =	vimm.s32 $0x0;
	v28 =	vsel vm2, $0xFFFFFFFF, v55;
	vm0 =	vmor vm1, vm0  }
0xbf: {  	v57 =	vimm.s32 $0x0;
	vm13 =	vmneg vm2;
	[tilespmem:$0x1FE50] =	vst v28;
	v28 =	vsel vm0, $0xFFFFFFFF, v56  }
0xc0: {  	v27 =	vld.idx.msk [tilespmem:v27+s2+$0x0], $0xffff;
	v58 =	vnsel vm0, $0xFF800000, v18;
	[tilespmem:$0x1FE40] =	vst v28;
	v28 =	vsel vm13, $0xFFFFFFFF, v57  }
0xc1: {  	[tilespmem:$0x1FE30] =	vst v28;
	v28 =	vsel vm13, v58, v20  }
0xc2: {  	v18 =	vsel vm13, v20, v18;
	vm14 =	vgt.f32 v21, v28  }
0xc3: {  	v60 =	vld.idx.msk [tilespmem:v26+s2+$0x0], $0xffff;
	vm11 =	vgt.f32 v21, v18;
	v61 =	vsel vm14, v21, v28  }
0xc4: {  	v26 =	vsel vm11, v18, v61  }
0xc5: {  	v18 =	vsel vm11, v21, v18;
	vm15 =	vgt.f32 v27, v26  }
0xc6: {  	v63 =	vld.idx.msk [tilespmem:v25+s2+$0x0], $0xffff;
	vm9 =	vgt.f32 v27, v18;
	v28 =	vsel vm15, v27, v26  }
0xc7: {  	v25 =	vsel vm9, v18, v28  }
0xc8: {  	v18 =	vsel vm9, v27, v18;
	vm4 =	vgt.f32 v60, v25  }
0xc9: {  	v24 =	vld.idx.msk [tilespmem:v24+s2+$0x0], $0xffff;
	vm8 =	vgt.f32 v60, v18;
	v25 =	vsel vm4, v60, v25  }
0xca: {  	v25 =	vsel vm8, v18, v25  }
0xcb: {  	v18 =	vsel vm8, v60, v18;
	vm5 =	vgt.f32 v63, v25  }
0xcc: {  	v31 =	vld.idx.msk [tilespmem:v23+s2+$0x0], $0xffff;
	vm10 =	vgt.f32 v63, v18;
	v32 =	vsel vm5, v63, v25  }
0xcd: {  	v59 =	vimm.s32 $0x0;
	v23 =	vsel vm10, v18, v32  }
0xce: {  	v62 =	vimm.s32 $0x0;
	v18 =	vsel vm10, v63, v18;
	vm6 =	vgt.f32 v24, v23  }
0xcf: {  	v37 =	vor.u32 s16, v11;
	v34 =	vld.idx.msk [tilespmem:v22+s2+$0x0], $0xffff;
	vm12 =	vgt.f32 v24, v18;
	v35 =	vsel vm6, v24, v23  }
0xd0: {  	v38 =	vimm.s32 $0x0;
	v29 =	vimm.s32 $0x0;
	v22 =	vsel vm12, v18, v35  }
0xd1: {  	v30 =	vimm.s32 $0x0;
	v18 =	vsel vm12, v24, v18;
	vm7 =	vgt.f32 v31, v22  }
0xd2: {  	v19 =	vld.idx.msk [tilespmem:v19+s2+$0x0], $0xffff;
	v20 =	vsel vm14, $0xFFFFFFFF, v59;
	vm13 =	vgt.f32 v31, v18;
	v22 =	vsel vm7, v31, v22  }
0xd3: {  	v21 =	vsel vm15, $0xFFFFFFFF, v62;
	v26 =	vsel vm4, $0xFFFFFFFF, v29;
	v22 =	vsel vm13, v18, v22  }
0xd4: {  	[tilespmem:$0x1FE60] =	vst v20;
	v20 =	vsel vm5, $0xFFFFFFFF, v30;
	v18 =	vsel vm13, v31, v18;
	vm4 =	vgt.f32 v34, v22  }
0xd5: {  	v17 =	vld.idx.msk [tilespmem:v17+s2+$0x0], $0xffff;
	[tilespmem:$0x1FE90] =	vst v20;
	vm15 =	vgt.f32 v34, v18;
	v20 =	vsel vm4, $0xFFFFFFFF, v38;
	v39 =	vsel vm4, v34, v22  }
0xd6: {  	v33 =	vimm.s32 $0x0;
	v36 =	vimm.s32 $0x0;
	[tilespmem:$0x1FEC0] =	vst v20;
	v20 =	vsel vm15, v18, v39  }
0xd7: {  	v40 =	vor.u32 s16, v12;
	v18 =	vsel vm15, v34, v18;
	vm5 =	vgt.f32 v19, v20  }
0xd8: {  	v42 =	vld.idx.msk [tilespmem:v37+s2+$0x0], $0xffff;
	v23 =	vsel vm7, $0xFFFFFFFF, v36;
	vm7 =	vgt.f32 v19, v18;
	v20 =	vsel vm5, v19, v20  }
0xd9: {  	v43 =	vor.u32 s16, v13;
	[tilespmem:$0x1FE70] =	vst v21;
	v21 =	vsel vm6, $0xFFFFFFFF, v33;
	v20 =	vsel vm7, v18, v20  }
0xda: {  	v18 =	vsel vm7, v19, v18;
	v19 =	vimm.s32 $0x0;
	vm6 =	vgt.f32 v17, v20  }
0xdb: {  	v19 =	vsel vm6, $0xFFFFFFFF, v19;
	v20 =	vsel vm6, v17, v20;
	vm6 =	vgt.f32 v17, v18  }
0xdc: {  	v44 =	vor.u32 s16, v14;
	[tilespmem:$0x1FEE0] =	vst v19;
	v19 =	vld.idx.msk [tilespmem:v40+s2+$0x0], $0xffff;
	v20 =	vsel vm6, v18, v20  }
0xdd: {  	v17 =	vsel vm6, v17, v18;
	v18 =	vimm.s32 $0x0;
	vm14 =	vgt.f32 v42, v20  }
0xde: {  	v41 =	vimm.s32 $0x0;
	[tilespmem:$0x1FEA0] =	vst v21;
	v18 =	vsel vm14, $0xFFFFFFFF, v18  }
0xdf: {  	v21 =	vsel vm5, $0xFFFFFFFF, v41;
	vm5 =	vgt.f32 v42, v17;
	v20 =	vsel vm14, v42, v20;
	[tilespmem:$0x1FEF0] =	vst v18;
	v18 =	vld.idx.msk [tilespmem:v43+s2+$0x0], $0xffff  }
0xe0: {  	v45 =	vor.u32 s16, v15;
	v20 =	vsel vm5, v17, v20  }
0xe1: {  	v46 =	vimm.s32 $0x0;
	v17 =	vsel vm5, v42, v17;
	vm4 =	vgt.f32 v19, v20  }
0xe2: {  	v47 =	vld.idx.msk [tilespmem:v44+s2+$0x0], $0xffff;
	[tilespmem:$0x1FED0] =	vst v21;
	v21 =	vsel vm4, $0xFFFFFFFF, v46;
	v20 =	vsel vm4, v19, v20;
	vm4 =	vgt.f32 v19, v17  }
0xe3: {  	v20 =	vsel vm4, v17, v20  }
0xe4: {  	v17 =	vsel vm4, v19, v17;
	v19 =	vimm.s32 $0x0;
	vm14 =	vgt.f32 v18, v20  }
0xe5: {  	vm3 =	vgt.f32 v18, v17;
	v19 =	vsel vm14, $0xFFFFFFFF, v19;
	v20 =	vsel vm14, v18, v20  }
0xe6: {  	[tilespmem:$0x1FF10] =	vst v19;
	v19 =	vld.idx.msk [tilespmem:v45+s2+$0x0], $0xffff;
	v20 =	vsel vm3, v17, v20  }
0xe7: {  	v17 =	vsel vm3, v18, v17;
	v18 =	vimm.s32 $0x0;
	vm14 =	vgt.f32 v47, v20  }
0xe8: {  	v18 =	vsel vm14, $0xFFFFFFFF, v18  }
0xe9: {  	vm2 =	vgt.f32 v47, v17;
	[tilespmem:$0x1FF20] =	vst v18;
	v18 =	vsel vm14, v47, v20  }
0xea: {  	v18 =	vsel vm2, v17, v18  }
0xeb: {  	v17 =	vsel vm2, v47, v17;
	vm14 =	vgt.f32 v19, v18  }
0xec: {  	vm1 =	vgt.f32 v19, v17;
	v18 =	vsel vm14, v19, v18  }
0xed: {  	v18 =	vsel vm1, v17, v18;
	v17 =	vsel vm1, v19, v17;
	v19 =	vld [tilespmem:$0x1FE30];
	_ =	sdelay $0x4  }
0xee: {  	vm0 =	vnez.u8 v19;
	v19 =	vld [tilespmem:$0x1FE40];
	_ =	sdelay $0x3  }
0xef: {  	v48 =	vimm.s32 $0x0  }
0xf0: {  	v20 =	vsel vm14, $0xFFFFFFFF, v48;
	vm14 =	vnez.u8 v19;
	v19 =	vld [tilespmem:$0x1FE50]  }
0xf1: {  	v49 =	vld [tilespmem:$0x1FE60];
	_ =	sdelay $0x1  }
0xf2: {  	v50 =	vld [tilespmem:$0x1FE70];
	_ =	sdelay $0x1  }
0xf3: {  	v17 =	vsub.f32 v18, v17;
	vm0 =	vmand vm0, vm14;
	vm14 =	vnez.u8 v19  }
0xf4: {  	v18 =	vsel vm0, $0x1, v16;
	v19 =	vsel vm14, $0x1, v16;
	vm14 =	vnez.u8 v49  }
0xf5: {  	v17 =	vmul.f32 $1.442695020e+00, v17;
	v18 =	vsel vm14, $0x2, v18  }
0xf6: {  	v18 =	vsel vm11, v19, v18;
	v19 =	vsel vm11, $0x2, v19;
	vm11 =	vnez.u8 v50  }
0xf7: {  	[tilespmem:$0x1FE80] =	vst v26;
	v18 =	vsel vm11, $0x3, v18  }
0xf8: {  	(erf) = vpow2.f32 v17;
	v17 =	vsel vm9, v19, v18;
	v18 =	vsel vm9, $0x3, v19;
	v19 =	vld [tilespmem:$0x1FE80];
	_ =	sdelay $0x4  }
0xf9: {  	vm14 =	vnez.u8 v19;
	v19 =	vld [tilespmem:$0x1FE90];
	_ =	sdelay $0x4  }
0xfa: {  	vm9 =	vnez.u8 v19;
	v19 =	vld [tilespmem:$0x1FEA0];
	_ =	sdelay $0x3  }
0xfb: {  	[tilespmem:$0x1FEB0] =	vst v23  }
0xfc: {  	v17 =	vsel vm14, $0x4, v17;
	vm11 =	vnez.u8 v19;
	v19 =	vld [tilespmem:$0x1FEB0]  }
0xfd: {  	v17 =	vsel vm8, v18, v17  }
0xfe: {  	v51 =	vld [tilespmem:$0x1FEC0];
	v18 =	vsel vm8, $0x4, v18;
	v17 =	vsel vm9, $0x5, v17  }
0xff: {  	v17 =	vsel vm10, v18, v17  }
0x100: {  	v53 =	vld [tilespmem:$0x1FED0];
	v18 =	vsel vm10, $0x5, v18;
	v17 =	vsel vm11, $0x6, v17  }
0x101: {  	v17 =	vsel vm12, v18, v17;
	vm14 =	vnez.u8 v19  }
0x102: {  	v54 =	vld [tilespmem:$0x1FEE0];
	v18 =	vsel vm12, $0x6, v18;
	v17 =	vsel vm14, $0x7, v17  }
0x103: {  	vm8 =	vnez.u8 v51;
	v19 =	vpop (erf);
	v17 =	vsel vm13, v18, v17  }
0x104: {  	v55 =	vld [tilespmem:$0x1FEF0];
	v52 =	vadd.f32 $1.000000000e+00, v19;
	v18 =	vsel vm13, $0x7, v18;
	v17 =	vsel vm8, $0x8, v17  }
0x105: {  	[tilespmem:$0x1FF00] =	vst v21;
	vm9 =	vnez.u8 v53;
	v17 =	vsel vm15, v18, v17  }
0x106: {  	v57 =	vld [tilespmem:$0x1FF00];
	(erf) = vrcp.f32 v52;
	v18 =	vsel vm15, $0x8, v18;
	v17 =	vsel vm9, $0x9, v17  }
0x107: {  	vm10 =	vnez.u8 v54;
	v17 =	vsel vm7, v18, v17  }
0x108: {  	v59 =	vld [tilespmem:$0x1FF10];
	v18 =	vsel vm7, $0x9, v18;
	v17 =	vsel vm10, $0xA, v17  }
0x109: {  	s12 =	sadd.s32 $0x10, s12;
	vm11 =	vnez.u8 v55;
	v17 =	vsel vm6, v18, v17  }
0x10a: {  	v56 =	vmov s12;
	v61 =	vld [tilespmem:$0x1FF20];
	v18 =	vsel vm6, $0xA, v18;
	v17 =	vsel vm11, $0xB, v17  }
0x10b: {  	[tilespmem:$0x1FF30] =	vst v20;
	v20 =	vshll.u32 v56, $0x7;
	vm12 =	vnez.u8 v57;
	v17 =	vsel vm5, v18, v17  }
0x10c: {  	v20 =	vor.u32 v0, v20;
	v62 =	vld [tilespmem:$0x1FF30];
	v18 =	vsel vm5, $0xB, v18;
	v17 =	vsel vm12, $0xC, v17  }
0x10d: {  	v58 =	vor.u32 $0x1, v20;
	vm13 =	vnez.u8 v59;
	v17 =	vsel vm4, v18, v17  }
0x10e: {  	v18 =	vsel vm4, $0xC, v18;
	v17 =	vsel vm13, $0xD, v17  }
0x10f: {  	vm14 =	vnez.u8 v61;
	v60 =	vpop (erf);
	v17 =	vsel vm3, v18, v17  }
0x110: {  	v19 =	vmul.f32 v60, v19;
	v18 =	vsel vm3, $0xD, v18;
	v17 =	vsel vm14, $0xE, v17  }
0x111: {  	vm15 =	vnez.u8 v62;
	[tilespmem:v20+s9+$0x0] =	vst.idx.msk $0xffff, v60;
	v17 =	vsel vm2, v18, v17;
	v18 =	vsel vm2, $0xE, v18  }
0x112: {  	[tilespmem:v58+s9+$0x0] =	vst.idx.msk $0xffff, v19;
	v17 =	vsel vm15, $0xF, v17;
	v63 =	vsel vm1, $0xF, v18  }
0x113: {  	v17 =	vsel vm1, v18, v17;
	[tilespmem:v20+s10+$0x0] =	vst.idx.msk $0xffff, v63  }
0x114: {  	[tilespmem:v58+s10+$0x0] =	vst.idx.msk $0xffff, v17  }
0x115: {  	[hbm4b:s5+s2] =	stream.linear.scatter [tilespmem:s9], [sflag:$0x1], $0x8000, $0x38;
	[tilespmem:$0x14000] =	vst v63  }
0x116: {  	s11 =	sadd.s32 $0x1, s11;
	_ =	swait.ge [sflag:s8], $0x8000  }
0x117: {  	p0 =	sne.s32 s11, s7;
	[sflag:s8] =	ssyncset.done $0x0  }
.Ltmp1:
0x118: {  	[sflag:s8] =	ssyncadd.s32 $0xFFFF8000;
	(pc) =	sbr.rel @p0 .LBB2_1-.Ltmp1, $4  }
0x119: {  	[hbm4b:s6+s2] =	stream.linear.scatter [tilespmem:s10], [sflag:$0x1], $0x8000, $0x38;
	[tilespmem:$0x14000] =	vst v63  }
0x11a: {  	_ =	swait.ge [sflag:s8], $0x8000  }
0x11b: {  	[sflag:s8] =	ssyncset.done $0x0  }
0x11c: {  	[sflag:s8] =	ssyncadd.s32 $0xFFFF8000  }
0x11d: {  	_ =	sfence.sel $0x180000  }
0x11e: {  	[bflag:$0x0] =	sbarrier.arrive $0xFFFF  }
0x11f: {  	p0 =	sne.s32 s1, $0x0;
	_ =	strace $0x90000047  }
0x120: {  	s0 =	sadd.s32 @!p0 $0x100000, s0;
	[bflag:$0x2] =	sbarrier.arrive $0xFFFF  }
0x121: {  	[sflag:s0] =	ssyncadd.tile.s32 @!p0 $0x1;
	_ =	shalt  }
.Lfunc_end2:
_tile_overlayer_lowered:
.L_overlay_start_2:
0x122: {  	(tag) =	ssettag $0x2  }
0x123: {  	s0 =	rddreg [dreg:$0x0];
	s2 =	stileid.u32  }
0x124: {  	s1 =	rddreg [dreg:$0x1];
	p0 =	sne.s32 s2, $0x0  }
0x125: {  	s3 =	rddreg [dreg:$0x2];
	[bflag:$0x3] =	sbarrier.arrive $0xFFFF;
	s2 =	simm.s32 @!p0 $0x1C01  }
0x126: {  	[timem:s3], [sflag:s2] =	dma.local @!p0 [hbm:s0], s1  }
0x127: {  	s0 =	simm.s32 @!p0 $0x1  }
0x128: {  	_ =	swait.ge @!p0 [sflag:s0], s1  }
0x129: {  	s1 =	ssub.s32 @!p0 $0x0, s1;
	[sflag:s0] =	ssyncset.done @!p0 $0x0  }
0x12a: {  	[sflag:s0] =	ssyncadd.s32 @!p0 s1  }
0x12b: {  	[bflag:$0x3] =	sbarrier.arrive $0xFFFF  }
0x12c: {  	_ =	shalt  }

</sc_bundles>
